<compile_context>
chip_gen: v7x
topology: tpu7x:2x2x1
jax: 0.10.2.dev20260603
libtpu: 0.0.44.dev20260713+nightly
codegen_flags: <defaults>
</compile_context>

<pallas_src>
import functools
import math

import numpy as np
import jax
import jax.numpy as jnp
from jax import lax
from jax.experimental import pallas as pl
from jax.experimental.pallas import tpu as pltpu
from jax.experimental.pallas import tpu_sc as plsc

GAMMA_CONST = 1.0
_TWO_PI = 2.0 * math.pi
_INV_TWO_PI = 1.0 / _TWO_PI
_S3 = -1.0 / 6.0
_S5 = 1.0 / 120.0
_S7 = -1.0 / 5040.0
_S9 = 1.0 / 362880.0
_S11 = -1.0 / 39916800.0
_S13 = 1.0 / 6227020800.0


def _fast_sin(x):
    k = jnp.round(x * _INV_TWO_PI)
    r = x - k * _TWO_PI
    r2 = r * r
    p = _S13
    p = p * r2 + _S11
    p = p * r2 + _S9
    p = p * r2 + _S7
    p = p * r2 + _S5
    p = p * r2 + _S3
    return r + r * r2 * p


def _sc_gather(x_flat, table):
    n_tok = x_flat.shape[0]
    _, d_model = table.shape
    info = plsc.get_sparse_core_info()
    n_workers = info.num_cores * info.num_subcores
    per_w = n_tok // n_workers
    chunk = 32
    n_chunks = per_w // chunk

    mesh = plsc.VectorSubcoreMesh(core_axis_name="c", subcore_axis_name="s")

    @functools.partial(
        pl.kernel,
        out_type=jax.ShapeDtypeStruct((n_tok, d_model), jnp.float32),
        mesh=mesh,
        scratch_types=[
            pltpu.VMEM((per_w,), jnp.int32),
            pltpu.VMEM((chunk, d_model), jnp.float32),
            pltpu.VMEM((chunk, d_model), jnp.float32),
            pltpu.SemaphoreType.DMA,
            pltpu.SemaphoreType.DMA,
            pltpu.SemaphoreType.DMA,
            pltpu.SemaphoreType.DMA,
        ],
    )
    def gather_kernel(x_hbm, tab_hbm, out_hbm, idx_v, buf0, buf1,
                      gsem0, gsem1, wsem0, wsem1):
        wid = lax.axis_index("s") * info.num_cores + lax.axis_index("c")
        base = wid * per_w
        pltpu.sync_copy(x_hbm.at[pl.ds(base, per_w)], idx_v)
        bufs = (buf0, buf1)
        gsems = (gsem0, gsem1)
        wsems = (wsem0, wsem1)
        gathers = [None] * n_chunks
        writes = [None] * n_chunks
        for i in range(n_chunks):
            if i >= 2:
                writes[i - 2].wait()
            gathers[i] = pltpu.async_copy(
                tab_hbm.at[idx_v.at[pl.ds(i * chunk, chunk)]],
                bufs[i % 2], gsems[i % 2])
            if i >= 1:
                gathers[i - 1].wait()
                writes[i - 1] = pltpu.async_copy(
                    bufs[(i - 1) % 2],
                    out_hbm.at[pl.ds(base + (i - 1) * chunk, chunk)],
                    wsems[(i - 1) % 2])
        gathers[n_chunks - 1].wait()
        writes[n_chunks - 1] = pltpu.async_copy(
            bufs[(n_chunks - 1) % 2],
            out_hbm.at[pl.ds(base + (n_chunks - 1) * chunk, chunk)],
            wsems[(n_chunks - 1) % 2])
        writes[n_chunks - 2].wait()
        writes[n_chunks - 1].wait()

    return gather_kernel(x_flat, table)


def _tc_imag_full(batch, seq_len, d_model):
    block_s = 256
    omega_np = (1.0 / 10000.0 ** (np.arange(0, d_model, 2) / d_model)).repeat(2)
    omega_row = jnp.asarray(omega_np.reshape(1, d_model), dtype=jnp.float32)

    def imag_kernel(om_ref, o_ref):
        s0 = pl.program_id(0) * block_s
        pos = (s0 + lax.broadcasted_iota(
            jnp.int32, (block_s, 1), 0)).astype(jnp.float32)
        ang = pos * om_ref[...]
        tile = GAMMA_CONST * _fast_sin(ang)
        o_ref[...] = jnp.broadcast_to(tile[None], (batch, block_s, d_model))

    return pl.pallas_call(
        imag_kernel,
        grid=(seq_len // block_s,),
        in_specs=[pl.BlockSpec((1, d_model), lambda i: (0, 0))],
        out_specs=pl.BlockSpec((batch, block_s, d_model), lambda i: (0, i, 0)),
        out_shape=jax.ShapeDtypeStruct((batch, seq_len, d_model), jnp.float32),
    )(omega_row)


def kernel(x, vocab_embed):
    b, s = x.shape
    _, d = vocab_embed.shape
    real = _sc_gather(x.reshape(b * s), vocab_embed).reshape(b, s, d)
    imag3d = _tc_imag_full(b, s, d)
    return lax.complex(real, imag3d)

# --- scband reference (transcript-rebuilt; emitter-appended) ---
"""Pipeline reference for scband-complex-embeddings-2946347565892 (READ-ONLY COPY).

The authoritative reference and input builder live on the scoring server;
editing this copy changes nothing except your own understanding.
"""

import jax, jax.numpy as jnp
import numpy as np

VOCAB = 100000
D_MODEL = 1024
GAMMA = 1.0
B = 4
S = 2048


def setup_inputs(seed: int = 0) -> dict:
    key = jax.random.key(seed)
    k1, k2 = jax.random.split(key)
    x = jax.random.randint(k1, (B, S), 0, VOCAB, dtype=jnp.int32)
    vocab_embed = jax.random.normal(k2, (VOCAB, D_MODEL), dtype=jnp.float32) * 0.02
    return {"x": x, "vocab_embed": vocab_embed}


def reference(x, vocab_embed):
    # embedding lookup (gather)
    real = jnp.take(vocab_embed, x, axis=0)  # [B, S, D]
    seq_len = real.shape[-2]
    d_model = vocab_embed.shape[1]
    # omega buffer: 1 / 10000^(2i/d)
    omega = 1.0 / (10000.0 ** (jnp.arange(0, d_model, 2, dtype=jnp.float32) / d_model))  # [D/2]
    positions = jnp.arange(seq_len, dtype=jnp.float32)[:, None]  # [S, 1]
    angles = omega[None, :] * positions  # [S, D/2]
    imag = GAMMA * jnp.repeat(jnp.sin(angles), 2, axis=-1)  # repeat_interleave(2, dim=-1) -> [S, D]
    imag = jnp.broadcast_to(imag[None, :, :], real.shape)  # [B, S, D]
    return jax.lax.complex(real, imag)

if __name__ == "__main__":
    import jax
    _d = setup_inputs()
    print(jax.jit(kernel)(*tuple(_d.values())))

</pallas_src>

<mosaic_0001>
#map = affine_map<(d0, d1) -> (0)>
#map1 = affine_map<(d0, d1) -> (0, 0)>
module attributes {stable_mosaic.version = 14 : i64} {
  func.func @gather_kernel(%arg0: i32, %arg1: i32, %arg2: memref<8192xi32, #tpu.memory_space<hbm>>, %arg3: memref<100000x1024xf32, #tpu.memory_space<hbm>>, %arg4: memref<8192x1024xf32, #tpu.memory_space<hbm>>, %arg5: memref<256xi32, #tpu.memory_space<vmem>>, %arg6: memref<32x1024xf32, #tpu.memory_space<vmem>>, %arg7: memref<32x1024xf32, #tpu.memory_space<vmem>>, %arg8: memref<!tpu.dma_semaphore, #tpu.memory_space<semaphore_mem>>, %arg9: memref<!tpu.dma_semaphore, #tpu.memory_space<semaphore_mem>>, %arg10: memref<!tpu.dma_semaphore, #tpu.memory_space<semaphore_mem>>, %arg11: memref<!tpu.dma_semaphore, #tpu.memory_space<semaphore_mem>>) attributes {dimension_semantics = [#tpu.dimension_semantics<core_parallel>, #tpu.dimension_semantics<subcore_parallel>], iteration_bounds = array<i64: 2, 16>, scalar_prefetch = 0 : i64, scratch_operands = 7 : i64, tpu.core_type = #tpu.core_type<sc_vector_subcore>, window_params = [{transform_indices = #map}, {transform_indices = #map1}, {transform_indices = #map1}]} {
    %mul3A = arith.constant 2 : i32
    %mul3A_0 = arith.muli %arg1, %mul3A : i32
    %add3A = arith.addi %mul3A_0, %arg0 : i32
    %mul3A_1 = arith.constant 256 : i32
    %mul3A_2 = arith.muli %add3A, %mul3A_1 : i32
    "tpu.region"() ({
      %run_scoped3A = tpu.sem_alloc : memref<!tpu.dma_semaphore, #tpu.memory_space<semaphore_mem>>
      %dma_start3A_161 = tpu.memref_slice %arg2[%mul3A_2] : memref<8192xi32, #tpu.memory_space<hbm>> -> memref<256xi32, #tpu.memory_space<hbm>>
      %dma_start3A_162 = tpu.memref_slice %arg2[%mul3A_2] : memref<8192xi32, #tpu.memory_space<hbm>> -> memref<256xi32, #tpu.memory_space<hbm>>
      tpu.enqueue_dma source(%dma_start3A_162 : memref<256xi32, #tpu.memory_space<hbm>>) target(%arg5 : memref<256xi32, #tpu.memory_space<vmem>>) target_semaphore(%run_scoped3A : memref<!tpu.dma_semaphore, #tpu.memory_space<semaphore_mem>>)
      %dma_wait3A_163 = tpu.memref_slice %arg2[%mul3A_2] : memref<8192xi32, #tpu.memory_space<hbm>> -> memref<256xi32, #tpu.memory_space<hbm>>
      %dma_wait3A_164 = tpu.memref_slice %arg2[%mul3A_2] : memref<8192xi32, #tpu.memory_space<hbm>> -> memref<256xi32, #tpu.memory_space<hbm>>
      tpu.wait_dma2 semaphore(%run_scoped3A : memref<!tpu.dma_semaphore, #tpu.memory_space<semaphore_mem>>) src(%dma_wait3A_164 : memref<256xi32, #tpu.memory_space<hbm>>) dst(%arg5 : memref<256xi32, #tpu.memory_space<vmem>>)
      tpu.yield
    }) : () -> ()
    %dma_start3A = arith.constant 0 : i32
    %dma_start3A_3 = tpu.memref_slice %arg5[%dma_start3A] : memref<256xi32, #tpu.memory_space<vmem>> -> memref<32xi32, #tpu.memory_space<vmem>>
    %dma_start3A_4 = arith.constant 0 : i32
    %dma_start3A_5 = arith.constant 0 : i32
    %dma_start3A_6 = tpu.memref_slice %arg3[%dma_start3A_4, %dma_start3A_5] : memref<100000x1024xf32, #tpu.memory_space<hbm>> -> memref<100000x1024xf32, #tpu.memory_space<hbm>>
    tpu.enqueue_indirect_dma source(%dma_start3A_6 : memref<100000x1024xf32, #tpu.memory_space<hbm>>) target(%arg6 : memref<32x1024xf32, #tpu.memory_space<vmem>>) offsets(%dma_start3A_3 : memref<32xi32, #tpu.memory_space<vmem>>) semaphore(%arg8 : memref<!tpu.dma_semaphore, #tpu.memory_space<semaphore_mem>>)
    %dma_start3A_7 = arith.constant 32 : i32
    %dma_start3A_8 = tpu.memref_slice %arg5[%dma_start3A_7] : memref<256xi32, #tpu.memory_space<vmem>> -> memref<32xi32, #tpu.memory_space<vmem>>
    %dma_start3A_9 = arith.constant 0 : i32
    %dma_start3A_10 = arith.constant 0 : i32
    %dma_start3A_11 = tpu.memref_slice %arg3[%dma_start3A_9, %dma_start3A_10] : memref<100000x1024xf32, #tpu.memory_space<hbm>> -> memref<100000x1024xf32, #tpu.memory_space<hbm>>
    tpu.enqueue_indirect_dma source(%dma_start3A_11 : memref<100000x1024xf32, #tpu.memory_space<hbm>>) target(%arg7 : memref<32x1024xf32, #tpu.memory_space<vmem>>) offsets(%dma_start3A_8 : memref<32xi32, #tpu.memory_space<vmem>>) semaphore(%arg9 : memref<!tpu.dma_semaphore, #tpu.memory_space<semaphore_mem>>)
    %dma_wait3A = arith.constant 0 : i32
    %dma_wait3A_12 = tpu.memref_slice %arg5[%dma_wait3A] : memref<256xi32, #tpu.memory_space<vmem>> -> memref<32xi32, #tpu.memory_space<vmem>>
    %dma_wait3A_13 = arith.constant 0 : i32
    %dma_wait3A_14 = arith.constant 0 : i32
    %dma_wait3A_15 = tpu.memref_slice %arg3[%dma_wait3A_13, %dma_wait3A_14] : memref<100000x1024xf32, #tpu.memory_space<hbm>> -> memref<100000x1024xf32, #tpu.memory_space<hbm>>
    tpu.wait_indirect_dma semaphore(%arg8 : memref<!tpu.dma_semaphore, #tpu.memory_space<semaphore_mem>>) src(%dma_wait3A_15 : memref<100000x1024xf32, #tpu.memory_space<hbm>>) dst(%arg6 : memref<32x1024xf32, #tpu.memory_space<vmem>>)
    %add3A_16 = arith.constant 0 : i32
    %add3A_17 = arith.addi %mul3A_2, %add3A_16 : i32
    %dma_start3A_18 = arith.constant 0 : i32
    %dma_start3A_19 = tpu.memref_slice %arg4[%add3A_17, %dma_start3A_18] : memref<8192x1024xf32, #tpu.memory_space<hbm>> -> memref<32x1024xf32, #tpu.memory_space<hbm>>
    %dma_start3A_20 = arith.constant 0 : i32
    %dma_start3A_21 = tpu.memref_slice %arg4[%add3A_17, %dma_start3A_20] : memref<8192x1024xf32, #tpu.memory_space<hbm>> -> memref<32x1024xf32, #tpu.memory_space<hbm>>
    tpu.enqueue_dma source(%arg6 : memref<32x1024xf32, #tpu.memory_space<vmem>>) target(%dma_start3A_21 : memref<32x1024xf32, #tpu.memory_space<hbm>>) target_semaphore(%arg10 : memref<!tpu.dma_semaphore, #tpu.memory_space<semaphore_mem>>)
    %dma_wait3A_22 = arith.constant 0 : i32
    %dma_wait3A_23 = tpu.memref_slice %arg4[%add3A_17, %dma_wait3A_22] : memref<8192x1024xf32, #tpu.memory_space<hbm>> -> memref<32x1024xf32, #tpu.memory_space<hbm>>
    %dma_wait3A_24 = arith.constant 0 : i32
    %dma_wait3A_25 = tpu.memref_slice %arg4[%add3A_17, %dma_wait3A_24] : memref<8192x1024xf32, #tpu.memory_space<hbm>> -> memref<32x1024xf32, #tpu.memory_space<hbm>>
    tpu.wait_dma2 semaphore(%arg10 : memref<!tpu.dma_semaphore, #tpu.memory_space<semaphore_mem>>) src(%arg6 : memref<32x1024xf32, #tpu.memory_space<vmem>>) dst(%dma_wait3A_25 : memref<32x1024xf32, #tpu.memory_space<hbm>>)
    %dma_start3A_26 = arith.constant 64 : i32
    %dma_start3A_27 = tpu.memref_slice %arg5[%dma_start3A_26] : memref<256xi32, #tpu.memory_space<vmem>> -> memref<32xi32, #tpu.memory_space<vmem>>
    %dma_start3A_28 = arith.constant 0 : i32
    %dma_start3A_29 = arith.constant 0 : i32
    %dma_start3A_30 = tpu.memref_slice %arg3[%dma_start3A_28, %dma_start3A_29] : memref<100000x1024xf32, #tpu.memory_space<hbm>> -> memref<100000x1024xf32, #tpu.memory_space<hbm>>
    tpu.enqueue_indirect_dma source(%dma_start3A_30 : memref<100000x1024xf32, #tpu.memory_space<hbm>>) target(%arg6 : memref<32x1024xf32, #tpu.memory_space<vmem>>) offsets(%dma_start3A_27 : memref<32xi32, #tpu.memory_space<vmem>>) semaphore(%arg8 : memref<!tpu.dma_semaphore, #tpu.memory_space<semaphore_mem>>)
    %dma_wait3A_31 = arith.constant 32 : i32
    %dma_wait3A_32 = tpu.memref_slice %arg5[%dma_wait3A_31] : memref<256xi32, #tpu.memory_space<vmem>> -> memref<32xi32, #tpu.memory_space<vmem>>
    %dma_wait3A_33 = arith.constant 0 : i32
    %dma_wait3A_34 = arith.constant 0 : i32
    %dma_wait3A_35 = tpu.memref_slice %arg3[%dma_wait3A_33, %dma_wait3A_34] : memref<100000x1024xf32, #tpu.memory_space<hbm>> -> memref<100000x1024xf32, #tpu.memory_space<hbm>>
    tpu.wait_indirect_dma semaphore(%arg9 : memref<!tpu.dma_semaphore, #tpu.memory_space<semaphore_mem>>) src(%dma_wait3A_35 : memref<100000x1024xf32, #tpu.memory_space<hbm>>) dst(%arg7 : memref<32x1024xf32, #tpu.memory_space<vmem>>)
    %add3A_36 = arith.constant 32 : i32
    %add3A_37 = arith.addi %mul3A_2, %add3A_36 : i32
    %dma_start3A_38 = arith.constant 0 : i32
    %dma_start3A_39 = tpu.memref_slice %arg4[%add3A_37, %dma_start3A_38] : memref<8192x1024xf32, #tpu.memory_space<hbm>> -> memref<32x1024xf32, #tpu.memory_space<hbm>>
    %dma_start3A_40 = arith.constant 0 : i32
    %dma_start3A_41 = tpu.memref_slice %arg4[%add3A_37, %dma_start3A_40] : memref<8192x1024xf32, #tpu.memory_space<hbm>> -> memref<32x1024xf32, #tpu.memory_space<hbm>>
    tpu.enqueue_dma source(%arg7 : memref<32x1024xf32, #tpu.memory_space<vmem>>) target(%dma_start3A_41 : memref<32x1024xf32, #tpu.memory_space<hbm>>) target_semaphore(%arg11 : memref<!tpu.dma_semaphore, #tpu.memory_space<semaphore_mem>>)
    %dma_wait3A_42 = arith.constant 0 : i32
    %dma_wait3A_43 = tpu.memref_slice %arg4[%add3A_37, %dma_wait3A_42] : memref<8192x1024xf32, #tpu.memory_space<hbm>> -> memref<32x1024xf32, #tpu.memory_space<hbm>>
    %dma_wait3A_44 = arith.constant 0 : i32
    %dma_wait3A_45 = tpu.memref_slice %arg4[%add3A_37, %dma_wait3A_44] : memref<8192x1024xf32, #tpu.memory_space<hbm>> -> memref<32x1024xf32, #tpu.memory_space<hbm>>
    tpu.wait_dma2 semaphore(%arg11 : memref<!tpu.dma_semaphore, #tpu.memory_space<semaphore_mem>>) src(%arg7 : memref<32x1024xf32, #tpu.memory_space<vmem>>) dst(%dma_wait3A_45 : memref<32x1024xf32, #tpu.memory_space<hbm>>)
    %dma_start3A_46 = arith.constant 96 : i32
    %dma_start3A_47 = tpu.memref_slice %arg5[%dma_start3A_46] : memref<256xi32, #tpu.memory_space<vmem>> -> memref<32xi32, #tpu.memory_space<vmem>>
    %dma_start3A_48 = arith.constant 0 : i32
    %dma_start3A_49 = arith.constant 0 : i32
    %dma_start3A_50 = tpu.memref_slice %arg3[%dma_start3A_48, %dma_start3A_49] : memref<100000x1024xf32, #tpu.memory_space<hbm>> -> memref<100000x1024xf32, #tpu.memory_space<hbm>>
    tpu.enqueue_indirect_dma source(%dma_start3A_50 : memref<100000x1024xf32, #tpu.memory_space<hbm>>) target(%arg7 : memref<32x1024xf32, #tpu.memory_space<vmem>>) offsets(%dma_start3A_47 : memref<32xi32, #tpu.memory_space<vmem>>) semaphore(%arg9 : memref<!tpu.dma_semaphore, #tpu.memory_space<semaphore_mem>>)
    %dma_wait3A_51 = arith.constant 64 : i32
    %dma_wait3A_52 = tpu.memref_slice %arg5[%dma_wait3A_51] : memref<256xi32, #tpu.memory_space<vmem>> -> memref<32xi32, #tpu.memory_space<vmem>>
    %dma_wait3A_53 = arith.constant 0 : i32
    %dma_wait3A_54 = arith.constant 0 : i32
    %dma_wait3A_55 = tpu.memref_slice %arg3[%dma_wait3A_53, %dma_wait3A_54] : memref<100000x1024xf32, #tpu.memory_space<hbm>> -> memref<100000x1024xf32, #tpu.memory_space<hbm>>
    tpu.wait_indirect_dma semaphore(%arg8 : memref<!tpu.dma_semaphore, #tpu.memory_space<semaphore_mem>>) src(%dma_wait3A_55 : memref<100000x1024xf32, #tpu.memory_space<hbm>>) dst(%arg6 : memref<32x1024xf32, #tpu.memory_space<vmem>>)
    %add3A_56 = arith.constant 64 : i32
    %add3A_57 = arith.addi %mul3A_2, %add3A_56 : i32
    %dma_start3A_58 = arith.constant 0 : i32
    %dma_start3A_59 = tpu.memref_slice %arg4[%add3A_57, %dma_start3A_58] : memref<8192x1024xf32, #tpu.memory_space<hbm>> -> memref<32x1024xf32, #tpu.memory_space<hbm>>
    %dma_start3A_60 = arith.constant 0 : i32
    %dma_start3A_61 = tpu.memref_slice %arg4[%add3A_57, %dma_start3A_60] : memref<8192x1024xf32, #tpu.memory_space<hbm>> -> memref<32x1024xf32, #tpu.memory_space<hbm>>
    tpu.enqueue_dma source(%arg6 : memref<32x1024xf32, #tpu.memory_space<vmem>>) target(%dma_start3A_61 : memref<32x1024xf32, #tpu.memory_space<hbm>>) target_semaphore(%arg10 : memref<!tpu.dma_semaphore, #tpu.memory_space<semaphore_mem>>)
    %dma_wait3A_62 = arith.constant 0 : i32
    %dma_wait3A_63 = tpu.memref_slice %arg4[%add3A_57, %dma_wait3A_62] : memref<8192x1024xf32, #tpu.memory_space<hbm>> -> memref<32x1024xf32, #tpu.memory_space<hbm>>
    %dma_wait3A_64 = arith.constant 0 : i32
    %dma_wait3A_65 = tpu.memref_slice %arg4[%add3A_57, %dma_wait3A_64] : memref<8192x1024xf32, #tpu.memory_space<hbm>> -> memref<32x1024xf32, #tpu.memory_space<hbm>>
    tpu.wait_dma2 semaphore(%arg10 : memref<!tpu.dma_semaphore, #tpu.memory_space<semaphore_mem>>) src(%arg6 : memref<32x1024xf32, #tpu.memory_space<vmem>>) dst(%dma_wait3A_65 : memref<32x1024xf32, #tpu.memory_space<hbm>>)
    %dma_start3A_66 = arith.constant 128 : i32
    %dma_start3A_67 = tpu.memref_slice %arg5[%dma_start3A_66] : memref<256xi32, #tpu.memory_space<vmem>> -> memref<32xi32, #tpu.memory_space<vmem>>
    %dma_start3A_68 = arith.constant 0 : i32
    %dma_start3A_69 = arith.constant 0 : i32
    %dma_start3A_70 = tpu.memref_slice %arg3[%dma_start3A_68, %dma_start3A_69] : memref<100000x1024xf32, #tpu.memory_space<hbm>> -> memref<100000x1024xf32, #tpu.memory_space<hbm>>
    tpu.enqueue_indirect_dma source(%dma_start3A_70 : memref<100000x1024xf32, #tpu.memory_space<hbm>>) target(%arg6 : memref<32x1024xf32, #tpu.memory_space<vmem>>) offsets(%dma_start3A_67 : memref<32xi32, #tpu.memory_space<vmem>>) semaphore(%arg8 : memref<!tpu.dma_semaphore, #tpu.memory_space<semaphore_mem>>)
    %dma_wait3A_71 = arith.constant 96 : i32
    %dma_wait3A_72 = tpu.memref_slice %arg5[%dma_wait3A_71] : memref<256xi32, #tpu.memory_space<vmem>> -> memref<32xi32, #tpu.memory_space<vmem>>
    %dma_wait3A_73 = arith.constant 0 : i32
    %dma_wait3A_74 = arith.constant 0 : i32
    %dma_wait3A_75 = tpu.memref_slice %arg3[%dma_wait3A_73, %dma_wait3A_74] : memref<100000x1024xf32, #tpu.memory_space<hbm>> -> memref<100000x1024xf32, #tpu.memory_space<hbm>>
    tpu.wait_indirect_dma semaphore(%arg9 : memref<!tpu.dma_semaphore, #tpu.memory_space<semaphore_mem>>) src(%dma_wait3A_75 : memref<100000x1024xf32, #tpu.memory_space<hbm>>) dst(%arg7 : memref<32x1024xf32, #tpu.memory_space<vmem>>)
    %add3A_76 = arith.constant 96 : i32
    %add3A_77 = arith.addi %mul3A_2, %add3A_76 : i32
    %dma_start3A_78 = arith.constant 0 : i32
    %dma_start3A_79 = tpu.memref_slice %arg4[%add3A_77, %dma_start3A_78] : memref<8192x1024xf32, #tpu.memory_space<hbm>> -> memref<32x1024xf32, #tpu.memory_space<hbm>>
    %dma_start3A_80 = arith.constant 0 : i32
    %dma_start3A_81 = tpu.memref_slice %arg4[%add3A_77, %dma_start3A_80] : memref<8192x1024xf32, #tpu.memory_space<hbm>> -> memref<32x1024xf32, #tpu.memory_space<hbm>>
    tpu.enqueue_dma source(%arg7 : memref<32x1024xf32, #tpu.memory_space<vmem>>) target(%dma_start3A_81 : memref<32x1024xf32, #tpu.memory_space<hbm>>) target_semaphore(%arg11 : memref<!tpu.dma_semaphore, #tpu.memory_space<semaphore_mem>>)
    %dma_wait3A_82 = arith.constant 0 : i32
    %dma_wait3A_83 = tpu.memref_slice %arg4[%add3A_77, %dma_wait3A_82] : memref<8192x1024xf32, #tpu.memory_space<hbm>> -> memref<32x1024xf32, #tpu.memory_space<hbm>>
    %dma_wait3A_84 = arith.constant 0 : i32
    %dma_wait3A_85 = tpu.memref_slice %arg4[%add3A_77, %dma_wait3A_84] : memref<8192x1024xf32, #tpu.memory_space<hbm>> -> memref<32x1024xf32, #tpu.memory_space<hbm>>
    tpu.wait_dma2 semaphore(%arg11 : memref<!tpu.dma_semaphore, #tpu.memory_space<semaphore_mem>>) src(%arg7 : memref<32x1024xf32, #tpu.memory_space<vmem>>) dst(%dma_wait3A_85 : memref<32x1024xf32, #tpu.memory_space<hbm>>)
    %dma_start3A_86 = arith.constant 160 : i32
    %dma_start3A_87 = tpu.memref_slice %arg5[%dma_start3A_86] : memref<256xi32, #tpu.memory_space<vmem>> -> memref<32xi32, #tpu.memory_space<vmem>>
    %dma_start3A_88 = arith.constant 0 : i32
    %dma_start3A_89 = arith.constant 0 : i32
    %dma_start3A_90 = tpu.memref_slice %arg3[%dma_start3A_88, %dma_start3A_89] : memref<100000x1024xf32, #tpu.memory_space<hbm>> -> memref<100000x1024xf32, #tpu.memory_space<hbm>>
    tpu.enqueue_indirect_dma source(%dma_start3A_90 : memref<100000x1024xf32, #tpu.memory_space<hbm>>) target(%arg7 : memref<32x1024xf32, #tpu.memory_space<vmem>>) offsets(%dma_start3A_87 : memref<32xi32, #tpu.memory_space<vmem>>) semaphore(%arg9 : memref<!tpu.dma_semaphore, #tpu.memory_space<semaphore_mem>>)
    %dma_wait3A_91 = arith.constant 128 : i32
    %dma_wait3A_92 = tpu.memref_slice %arg5[%dma_wait3A_91] : memref<256xi32, #tpu.memory_space<vmem>> -> memref<32xi32, #tpu.memory_space<vmem>>
    %dma_wait3A_93 = arith.constant 0 : i32
    %dma_wait3A_94 = arith.constant 0 : i32
    %dma_wait3A_95 = tpu.memref_slice %arg3[%dma_wait3A_93, %dma_wait3A_94] : memref<100000x1024xf32, #tpu.memory_space<hbm>> -> memref<100000x1024xf32, #tpu.memory_space<hbm>>
    tpu.wait_indirect_dma semaphore(%arg8 : memref<!tpu.dma_semaphore, #tpu.memory_space<semaphore_mem>>) src(%dma_wait3A_95 : memref<100000x1024xf32, #tpu.memory_space<hbm>>) dst(%arg6 : memref<32x1024xf32, #tpu.memory_space<vmem>>)
    %add3A_96 = arith.constant 128 : i32
    %add3A_97 = arith.addi %mul3A_2, %add3A_96 : i32
    %dma_start3A_98 = arith.constant 0 : i32
    %dma_start3A_99 = tpu.memref_slice %arg4[%add3A_97, %dma_start3A_98] : memref<8192x1024xf32, #tpu.memory_space<hbm>> -> memref<32x1024xf32, #tpu.memory_space<hbm>>
    %dma_start3A_100 = arith.constant 0 : i32
    %dma_start3A_101 = tpu.memref_slice %arg4[%add3A_97, %dma_start3A_100] : memref<8192x1024xf32, #tpu.memory_space<hbm>> -> memref<32x1024xf32, #tpu.memory_space<hbm>>
    tpu.enqueue_dma source(%arg6 : memref<32x1024xf32, #tpu.memory_space<vmem>>) target(%dma_start3A_101 : memref<32x1024xf32, #tpu.memory_space<hbm>>) target_semaphore(%arg10 : memref<!tpu.dma_semaphore, #tpu.memory_space<semaphore_mem>>)
    %dma_wait3A_102 = arith.constant 0 : i32
    %dma_wait3A_103 = tpu.memref_slice %arg4[%add3A_97, %dma_wait3A_102] : memref<8192x1024xf32, #tpu.memory_space<hbm>> -> memref<32x1024xf32, #tpu.memory_space<hbm>>
    %dma_wait3A_104 = arith.constant 0 : i32
    %dma_wait3A_105 = tpu.memref_slice %arg4[%add3A_97, %dma_wait3A_104] : memref<8192x1024xf32, #tpu.memory_space<hbm>> -> memref<32x1024xf32, #tpu.memory_space<hbm>>
    tpu.wait_dma2 semaphore(%arg10 : memref<!tpu.dma_semaphore, #tpu.memory_space<semaphore_mem>>) src(%arg6 : memref<32x1024xf32, #tpu.memory_space<vmem>>) dst(%dma_wait3A_105 : memref<32x1024xf32, #tpu.memory_space<hbm>>)
    %dma_start3A_106 = arith.constant 192 : i32
    %dma_start3A_107 = tpu.memref_slice %arg5[%dma_start3A_106] : memref<256xi32, #tpu.memory_space<vmem>> -> memref<32xi32, #tpu.memory_space<vmem>>
    %dma_start3A_108 = arith.constant 0 : i32
    %dma_start3A_109 = arith.constant 0 : i32
    %dma_start3A_110 = tpu.memref_slice %arg3[%dma_start3A_108, %dma_start3A_109] : memref<100000x1024xf32, #tpu.memory_space<hbm>> -> memref<100000x1024xf32, #tpu.memory_space<hbm>>
    tpu.enqueue_indirect_dma source(%dma_start3A_110 : memref<100000x1024xf32, #tpu.memory_space<hbm>>) target(%arg6 : memref<32x1024xf32, #tpu.memory_space<vmem>>) offsets(%dma_start3A_107 : memref<32xi32, #tpu.memory_space<vmem>>) semaphore(%arg8 : memref<!tpu.dma_semaphore, #tpu.memory_space<semaphore_mem>>)
    %dma_wait3A_111 = arith.constant 160 : i32
    %dma_wait3A_112 = tpu.memref_slice %arg5[%dma_wait3A_111] : memref<256xi32, #tpu.memory_space<vmem>> -> memref<32xi32, #tpu.memory_space<vmem>>
    %dma_wait3A_113 = arith.constant 0 : i32
    %dma_wait3A_114 = arith.constant 0 : i32
    %dma_wait3A_115 = tpu.memref_slice %arg3[%dma_wait3A_113, %dma_wait3A_114] : memref<100000x1024xf32, #tpu.memory_space<hbm>> -> memref<100000x1024xf32, #tpu.memory_space<hbm>>
    tpu.wait_indirect_dma semaphore(%arg9 : memref<!tpu.dma_semaphore, #tpu.memory_space<semaphore_mem>>) src(%dma_wait3A_115 : memref<100000x1024xf32, #tpu.memory_space<hbm>>) dst(%arg7 : memref<32x1024xf32, #tpu.memory_space<vmem>>)
    %add3A_116 = arith.constant 160 : i32
    %add3A_117 = arith.addi %mul3A_2, %add3A_116 : i32
    %dma_start3A_118 = arith.constant 0 : i32
    %dma_start3A_119 = tpu.memref_slice %arg4[%add3A_117, %dma_start3A_118] : memref<8192x1024xf32, #tpu.memory_space<hbm>> -> memref<32x1024xf32, #tpu.memory_space<hbm>>
    %dma_start3A_120 = arith.constant 0 : i32
    %dma_start3A_121 = tpu.memref_slice %arg4[%add3A_117, %dma_start3A_120] : memref<8192x1024xf32, #tpu.memory_space<hbm>> -> memref<32x1024xf32, #tpu.memory_space<hbm>>
    tpu.enqueue_dma source(%arg7 : memref<32x1024xf32, #tpu.memory_space<vmem>>) target(%dma_start3A_121 : memref<32x1024xf32, #tpu.memory_space<hbm>>) target_semaphore(%arg11 : memref<!tpu.dma_semaphore, #tpu.memory_space<semaphore_mem>>)
    %dma_wait3A_122 = arith.constant 0 : i32
    %dma_wait3A_123 = tpu.memref_slice %arg4[%add3A_117, %dma_wait3A_122] : memref<8192x1024xf32, #tpu.memory_space<hbm>> -> memref<32x1024xf32, #tpu.memory_space<hbm>>
    %dma_wait3A_124 = arith.constant 0 : i32
    %dma_wait3A_125 = tpu.memref_slice %arg4[%add3A_117, %dma_wait3A_124] : memref<8192x1024xf32, #tpu.memory_space<hbm>> -> memref<32x1024xf32, #tpu.memory_space<hbm>>
    tpu.wait_dma2 semaphore(%arg11 : memref<!tpu.dma_semaphore, #tpu.memory_space<semaphore_mem>>) src(%arg7 : memref<32x1024xf32, #tpu.memory_space<vmem>>) dst(%dma_wait3A_125 : memref<32x1024xf32, #tpu.memory_space<hbm>>)
    %dma_start3A_126 = arith.constant 224 : i32
    %dma_start3A_127 = tpu.memref_slice %arg5[%dma_start3A_126] : memref<256xi32, #tpu.memory_space<vmem>> -> memref<32xi32, #tpu.memory_space<vmem>>
    %dma_start3A_128 = arith.constant 0 : i32
    %dma_start3A_129 = arith.constant 0 : i32
    %dma_start3A_130 = tpu.memref_slice %arg3[%dma_start3A_128, %dma_start3A_129] : memref<100000x1024xf32, #tpu.memory_space<hbm>> -> memref<100000x1024xf32, #tpu.memory_space<hbm>>
    tpu.enqueue_indirect_dma source(%dma_start3A_130 : memref<100000x1024xf32, #tpu.memory_space<hbm>>) target(%arg7 : memref<32x1024xf32, #tpu.memory_space<vmem>>) offsets(%dma_start3A_127 : memref<32xi32, #tpu.memory_space<vmem>>) semaphore(%arg9 : memref<!tpu.dma_semaphore, #tpu.memory_space<semaphore_mem>>)
    %dma_wait3A_131 = arith.constant 192 : i32
    %dma_wait3A_132 = tpu.memref_slice %arg5[%dma_wait3A_131] : memref<256xi32, #tpu.memory_space<vmem>> -> memref<32xi32, #tpu.memory_space<vmem>>
    %dma_wait3A_133 = arith.constant 0 : i32
    %dma_wait3A_134 = arith.constant 0 : i32
    %dma_wait3A_135 = tpu.memref_slice %arg3[%dma_wait3A_133, %dma_wait3A_134] : memref<100000x1024xf32, #tpu.memory_space<hbm>> -> memref<100000x1024xf32, #tpu.memory_space<hbm>>
    tpu.wait_indirect_dma semaphore(%arg8 : memref<!tpu.dma_semaphore, #tpu.memory_space<semaphore_mem>>) src(%dma_wait3A_135 : memref<100000x1024xf32, #tpu.memory_space<hbm>>) dst(%arg6 : memref<32x1024xf32, #tpu.memory_space<vmem>>)
    %add3A_136 = arith.constant 192 : i32
    %add3A_137 = arith.addi %mul3A_2, %add3A_136 : i32
    %dma_start3A_138 = arith.constant 0 : i32
    %dma_start3A_139 = tpu.memref_slice %arg4[%add3A_137, %dma_start3A_138] : memref<8192x1024xf32, #tpu.memory_space<hbm>> -> memref<32x1024xf32, #tpu.memory_space<hbm>>
    %dma_start3A_140 = arith.constant 0 : i32
    %dma_start3A_141 = tpu.memref_slice %arg4[%add3A_137, %dma_start3A_140] : memref<8192x1024xf32, #tpu.memory_space<hbm>> -> memref<32x1024xf32, #tpu.memory_space<hbm>>
    tpu.enqueue_dma source(%arg6 : memref<32x1024xf32, #tpu.memory_space<vmem>>) target(%dma_start3A_141 : memref<32x1024xf32, #tpu.memory_space<hbm>>) target_semaphore(%arg10 : memref<!tpu.dma_semaphore, #tpu.memory_space<semaphore_mem>>)
    %dma_wait3A_142 = arith.constant 224 : i32
    %dma_wait3A_143 = tpu.memref_slice %arg5[%dma_wait3A_142] : memref<256xi32, #tpu.memory_space<vmem>> -> memref<32xi32, #tpu.memory_space<vmem>>
    %dma_wait3A_144 = arith.constant 0 : i32
    %dma_wait3A_145 = arith.constant 0 : i32
    %dma_wait3A_146 = tpu.memref_slice %arg3[%dma_wait3A_144, %dma_wait3A_145] : memref<100000x1024xf32, #tpu.memory_space<hbm>> -> memref<100000x1024xf32, #tpu.memory_space<hbm>>
    tpu.wait_indirect_dma semaphore(%arg9 : memref<!tpu.dma_semaphore, #tpu.memory_space<semaphore_mem>>) src(%dma_wait3A_146 : memref<100000x1024xf32, #tpu.memory_space<hbm>>) dst(%arg7 : memref<32x1024xf32, #tpu.memory_space<vmem>>)
    %add3A_147 = arith.constant 224 : i32
    %add3A_148 = arith.addi %mul3A_2, %add3A_147 : i32
    %dma_start3A_149 = arith.constant 0 : i32
    %dma_start3A_150 = tpu.memref_slice %arg4[%add3A_148, %dma_start3A_149] : memref<8192x1024xf32, #tpu.memory_space<hbm>> -> memref<32x1024xf32, #tpu.memory_space<hbm>>
    %dma_start3A_151 = arith.constant 0 : i32
    %dma_start3A_152 = tpu.memref_slice %arg4[%add3A_148, %dma_start3A_151] : memref<8192x1024xf32, #tpu.memory_space<hbm>> -> memref<32x1024xf32, #tpu.memory_space<hbm>>
    tpu.enqueue_dma source(%arg7 : memref<32x1024xf32, #tpu.memory_space<vmem>>) target(%dma_start3A_152 : memref<32x1024xf32, #tpu.memory_space<hbm>>) target_semaphore(%arg11 : memref<!tpu.dma_semaphore, #tpu.memory_space<semaphore_mem>>)
    %dma_wait3A_153 = arith.constant 0 : i32
    %dma_wait3A_154 = tpu.memref_slice %arg4[%add3A_137, %dma_wait3A_153] : memref<8192x1024xf32, #tpu.memory_space<hbm>> -> memref<32x1024xf32, #tpu.memory_space<hbm>>
    %dma_wait3A_155 = arith.constant 0 : i32
    %dma_wait3A_156 = tpu.memref_slice %arg4[%add3A_137, %dma_wait3A_155] : memref<8192x1024xf32, #tpu.memory_space<hbm>> -> memref<32x1024xf32, #tpu.memory_space<hbm>>
    tpu.wait_dma2 semaphore(%arg10 : memref<!tpu.dma_semaphore, #tpu.memory_space<semaphore_mem>>) src(%arg6 : memref<32x1024xf32, #tpu.memory_space<vmem>>) dst(%dma_wait3A_156 : memref<32x1024xf32, #tpu.memory_space<hbm>>)
    %dma_wait3A_157 = arith.constant 0 : i32
    %dma_wait3A_158 = tpu.memref_slice %arg4[%add3A_148, %dma_wait3A_157] : memref<8192x1024xf32, #tpu.memory_space<hbm>> -> memref<32x1024xf32, #tpu.memory_space<hbm>>
    %dma_wait3A_159 = arith.constant 0 : i32
    %dma_wait3A_160 = tpu.memref_slice %arg4[%add3A_148, %dma_wait3A_159] : memref<8192x1024xf32, #tpu.memory_space<hbm>> -> memref<32x1024xf32, #tpu.memory_space<hbm>>
    tpu.wait_dma2 semaphore(%arg11 : memref<!tpu.dma_semaphore, #tpu.memory_space<semaphore_mem>>) src(%arg7 : memref<32x1024xf32, #tpu.memory_space<vmem>>) dst(%dma_wait3A_160 : memref<32x1024xf32, #tpu.memory_space<hbm>>)
    return
  }
}

module attributes {stable_mosaic.version = 14 : i64} {
  func.func @imag_kernel(%arg0: i32, %arg1: memref<1x1024xf32, #tpu.memory_space<vmem>>, %arg2: memref<4x256x1024xf32, #tpu.memory_space<vmem>>) attributes {dimension_semantics = [#tpu.dimension_semantics<arbitrary>], iteration_bounds = array<i64: 8>, scalar_prefetch = 0 : i64, scratch_operands = 0 : i64, tpu.core_type = #tpu.core_type<tc>, window_params = [{pipeline_mode = #tpu.pipeline_mode<synchronous>, transform_indices = @transform_0, window_bounds = array<i64: 1, 1024>}, {transform_indices = @transform_1, window_bounds = array<i64: 4, 256, 1024>}]} {
    %mul3A = arith.constant 256 : i32
    %mul3A_0 = arith.muli %arg0, %mul3A : i32
    %iota3A = tpu.iota {dimensions = array<i32: 0>} : vector<256x1xi32>
    %add3A = vector.broadcast %mul3A_0 : i32 to vector<256x1xi32>
    %add3A_1 = arith.addi %add3A, %iota3A : vector<256x1xi32>
    %convert_element_type3A = arith.sitofp %add3A_1 : vector<256x1xi32> to vector<256x1xf32>
    %get3A = arith.constant 0 : index
    %get3A_2 = arith.constant 0 : index
    %get3A_3 = vector.load %arg1[%get3A, %get3A_2] : memref<1x1024xf32, #tpu.memory_space<vmem>>, vector<1x1024xf32>
    %mul3A_4 = vector.broadcast %convert_element_type3A : vector<256x1xf32> to vector<256x1024xf32>
    %mul3A_5 = vector.broadcast %get3A_3 : vector<1x1024xf32> to vector<256x1024xf32>
    %mul3A_6 = arith.mulf %mul3A_4, %mul3A_5 : vector<256x1024xf32>
    %mul3A_7 = arith.constant 0.159154937 : f32
    %mul3A_8 = vector.broadcast %mul3A_7 : f32 to vector<256x1024xf32>
    %mul3A_9 = arith.mulf %mul3A_6, %mul3A_8 : vector<256x1024xf32>
    %round3A = math.roundeven %mul3A_9 : vector<256x1024xf32>
    %mul3A_10 = arith.constant 6.28318548 : f32
    %mul3A_11 = vector.broadcast %mul3A_10 : f32 to vector<256x1024xf32>
    %mul3A_12 = arith.mulf %round3A, %mul3A_11 : vector<256x1024xf32>
    %sub3A = arith.subf %mul3A_6, %mul3A_12 : vector<256x1024xf32>
    %mul3A_13 = arith.mulf %sub3A, %sub3A : vector<256x1024xf32>
    %mul3A_14 = arith.constant 1.60590444E-10 : f32
    %mul3A_15 = vector.broadcast %mul3A_14 : f32 to vector<256x1024xf32>
    %mul3A_16 = arith.mulf %mul3A_15, %mul3A_13 : vector<256x1024xf32>
    %add3A_17 = arith.constant -2.50521079E-8 : f32
    %add3A_18 = vector.broadcast %add3A_17 : f32 to vector<256x1024xf32>
    %add3A_19 = arith.addf %mul3A_16, %add3A_18 : vector<256x1024xf32>
    %mul3A_20 = arith.mulf %add3A_19, %mul3A_13 : vector<256x1024xf32>
    %add3A_21 = arith.constant 2.75573188E-6 : f32
    %add3A_22 = vector.broadcast %add3A_21 : f32 to vector<256x1024xf32>
    %add3A_23 = arith.addf %mul3A_20, %add3A_22 : vector<256x1024xf32>
    %mul3A_24 = arith.mulf %add3A_23, %mul3A_13 : vector<256x1024xf32>
    %add3A_25 = arith.constant -1.98412701E-4 : f32
    %add3A_26 = vector.broadcast %add3A_25 : f32 to vector<256x1024xf32>
    %add3A_27 = arith.addf %mul3A_24, %add3A_26 : vector<256x1024xf32>
    %mul3A_28 = arith.mulf %add3A_27, %mul3A_13 : vector<256x1024xf32>
    %add3A_29 = arith.constant 0.00833333377 : f32
    %add3A_30 = vector.broadcast %add3A_29 : f32 to vector<256x1024xf32>
    %add3A_31 = arith.addf %mul3A_28, %add3A_30 : vector<256x1024xf32>
    %mul3A_32 = arith.mulf %add3A_31, %mul3A_13 : vector<256x1024xf32>
    %add3A_33 = arith.constant -0.166666672 : f32
    %add3A_34 = vector.broadcast %add3A_33 : f32 to vector<256x1024xf32>
    %add3A_35 = arith.addf %mul3A_32, %add3A_34 : vector<256x1024xf32>
    %mul3A_36 = arith.mulf %sub3A, %mul3A_13 : vector<256x1024xf32>
    %mul3A_37 = arith.mulf %mul3A_36, %add3A_35 : vector<256x1024xf32>
    %add3A_38 = arith.addf %sub3A, %mul3A_37 : vector<256x1024xf32>
    %mul3A_39 = arith.constant 1.000000e+00 : f32
    %mul3A_40 = vector.broadcast %mul3A_39 : f32 to vector<256x1024xf32>
    %mul3A_41 = arith.mulf %mul3A_40, %add3A_38 : vector<256x1024xf32>
    %broadcast_in_dim3A = vector.shape_cast %mul3A_41 : vector<256x1024xf32> to vector<1x256x1024xf32>
    %broadcast_in_dim3A_42 = vector.shape_cast %broadcast_in_dim3A : vector<1x256x1024xf32> to vector<1x256x1024xf32>
    %broadcast_in_dim3A_43 = vector.broadcast %broadcast_in_dim3A_42 : vector<1x256x1024xf32> to vector<4x256x1024xf32>
    %swap3A = arith.constant 0 : index
    %swap3A_44 = arith.constant 0 : index
    %swap3A_45 = arith.constant 0 : index
    %swap3A_46 = vector.load %arg2[%swap3A, %swap3A_44, %swap3A_45] : memref<4x256x1024xf32, #tpu.memory_space<vmem>>, vector<4x256x1024xf32>
    tpu.vector_store %arg2[%swap3A, %swap3A_44, %swap3A_45], %broadcast_in_dim3A_43 {strides = array<i32>} : memref<4x256x1024xf32, #tpu.memory_space<vmem>>, vector<4x256x1024xf32>,
    return
  }
  func.func @transform_0(%arg0: i32) -> (i32, i32) {
    %c0_i32 = arith.constant 0 : i32
    %c0_i32_0 = arith.constant 0 : i32
    %c0_i32_1 = arith.constant 0 : i32
    return %c0_i32, %c0_i32_0 : i32, i32
  }
  func.func @transform_1(%arg0: i32) -> (i32, i32, i32) {
    %c0_i32 = arith.constant 0 : i32
    %c0_i32_0 = arith.constant 0 : i32
    %c0_i32_1 = arith.constant 0 : i32
    return %c0_i32, %arg0, %c0_i32_0 : i32, i32, i32
  }
}

</mosaic_0001>

<sc_bundles>
// kernel: kernel.4.cloned.1.call-start
scs
__scs_entry_jumppad:
0x0: {  	(pc) =	sbr.rel $0x88, $3  }
0x1: {  	(tag) =	ssettag $0x0;
	lr =	simm.s32 $0x1  }
0x2: {  	[smem:$0x3F9F] =	sst lr;
	_ =	strace $0xD0000000  }
0x3: {  	_ = 	snop  }
0x4: {  	_ = 	snop  }
0x5: {  	_ = 	snop  }
0x6: {  	_ = 	snop  }
0x7: {  	_ = 	snop  }
__scs_overlays_trampoline_lowered:
0x8: {  	[smem:$0x3FAE] =	sst s0  }
0x9: {  	[smem:$0x3FAF] =	sst s1  }
0xa: {  	[smem:$0x3FB0] =	sst s2  }
0xb: {  	[smem:$0x3FB1] =	sst s3  }
0xc: {  	[smem:$0x3FB2] =	sst s4  }
0xd: {  	[smem:$0x3FB3] =	sst s5  }
0xe: {  	[smem:$0x3FB4] =	sst s6  }
0xf: {  	[smem:$0x3FB5] =	sst s7  }
0x10: {  	[smem:$0x3FB6] =	sst s8  }
0x11: {  	[smem:$0x3FB7] =	sst s9;
	s0 =	simm.s32 @!p0 $0x0  }
0x12: {  	s1 =	sld [smem:$0x3F9D];
	s0 =	simm.s32 @p0 $0x1  }
0x13: {  	[smem:$0x3FB8] =	sst s0;
	s0 =	simm.s32 @!p1 $0x0  }
0x14: {  	s2 =	sld [smem:$0x3F9C];
	s0 =	simm.s32 @p1 $0x1  }
0x15: {  	[smem:$0x3FB9] =	sst s0;
	s0 =	simm.s32 @!p2 $0x0  }
0x16: {  	s3 =	sld [smem:$0x3FDB];
	s0 =	simm.s32 @p2 $0x1  }
0x17: {  	s4 =	simm.s32 $0x1BF5;
	[smem:$0x3FBB] =	sst s0  }
0x18: {  	s0 =	sld [smem:$0x3F9E];
	_ =	swait.ge [sflag:s4], $0x0  }
0x19: {  	s7 =	sld [smem:$0x3F9F]  }
0x1a: {  	s8 =	sadd.s32 $0xFFFFE003, lr  }
0x1b: {  	s9 =	sadd.s32 $0xFFFFFEF7, lr;
	s5 =	simm.s32 $0xFFFFFFFF;
	p2 =	slt.u32 s8, $0xFFFFF086  }
0x1c: {  	p1 =	slt.u32 s9, $0xF7A;
	s5 =	simm.s32 @!p2 $0x0  }
0x1d: {  	s5 =	simm.s32 @p1 $0x1;
	p0 =	seq.s32 s7, s2  }
0x1e: {  	s7 =	smul.u32 @!p0 $0xF7A, s2;
	p2 =	seq.s32 @!p0 s5, $0x0  }
0x1f: {  	s9 =	smul.u32 $0xF7A, s1;
	s8 =	simm.s32 @!p0 $0x1BF5;
	p2 =	por !p2, p0  }
0x20: {  	[sflag:s8] =	ssyncset.s32 @!p0 $0xFFFFF086;
	s6 =	sadd.s32 @!p0 s3, s7;
	s7 =	simm.s32 @!p0 $0x108  }
0x21: {  	s3 =	sadd.s32 s3, s9;
	s6 =	sadd.s32 @!p0 $0x88, s6;
	s7 =	simm.s32 @p2 $0x1082  }
0x22: {  	[simem:s7], [sflag:s8] =	dma.local @!p0 [hbm:s6], $0xF7A  }
0x23: {  	s9 =	sor.u32 $0xD0000000, s2;
	s6 =	simm.s32 $0x108;
	_ =	swait.ge @!p0 [sflag:s8], $0x0  }
0x24: {  	s3 =	sadd.s32 $0x88, s3;
	s6 =	simm.s32 @!p1 $0x1082;
	[sflag:s4] =	ssyncset.s32 $0xFFFFF086  }
0x25: {  	[simem:s6], [sflag:s4] =	dma.local [hbm:s3], $0xF7A  }
0x26: {  	[smem:$0x3F9F] =	sst s1;
	(tag) =	ssettag s2;
	_ =	strace s9  }
0x27: {  	s1 =	sld [smem:$0x3FAF]  }
0x28: {  	s2 =	sld [smem:$0x3FB0]  }
0x29: {  	s4 =	sld [smem:$0x3FB2]  }
0x2a: {  	p0 =	seq.s32 s5, $0x0;
	s5 =	sld [smem:$0x3FB3]  }
0x2b: {  	s6 =	sld [smem:$0x3FB4]  }
0x2c: {  	s7 =	sld [smem:$0x3FB5]  }
0x2d: {  	s3 =	simm.s32 $0x108;
	s8 =	sld [smem:$0x3FB6]  }
0x2e: {  	s3 =	simm.s32 @!p0 $0x1082;
	s9 =	sld [smem:$0x3FB7]  }
0x2f: {  	lr =	sadd.s32 s0, s3;
	s0 =	sld [smem:$0x3FAE]  }
0x30: {  	s3 =	sld [smem:$0x3FB1]  }
0x31: {  	[smem:$0x3FBA] =	sst s10  }
0x32: {  	s10 =	sld [smem:$0x3FB8];
	_ =	sdelay $0x3  }
0x33: {  	p0 =	seq.s32 s10, $0x1;
	s10 =	sld [smem:$0x3FBA];
	_ =	sdelay $0x3  }
0x34: {  	[smem:$0x3FBA] =	sst s10  }
0x35: {  	s10 =	sld [smem:$0x3FB9];
	_ =	sdelay $0x3  }
0x36: {  	p1 =	seq.s32 s10, $0x1;
	s10 =	sld [smem:$0x3FBA];
	_ =	sdelay $0x3  }
0x37: {  	[smem:$0x3FBA] =	sst s10  }
0x38: {  	s10 =	sld [smem:$0x3FBB]  }
0x39: {  	_ = 	snop;
	(pc) =	sbr.ind lr, $3  }
0x3a: {  	_ = 	snop  }
0x3b: {  	_ = 	snop  }
0x3c: {  	p2 =	seq.s32 s10, $0x1;
	s10 =	sld [smem:$0x3FBA]  }
0x3d: {  	_ =	shalt  }
0x3e: {  	_ =	shalt  }
0x3f: {  	_ =	shalt  }
0x40: {  	_ =	shalt  }
0x41: {  	_ =	shalt  }
0x42: {  	_ =	shalt  }
0x43: {  	_ =	shalt  }
0x44: {  	_ =	shalt  }
0x45: {  	_ =	shalt  }
0x46: {  	_ =	shalt  }
0x47: {  	_ =	shalt  }
0x48: {  	_ =	shalt  }
0x49: {  	_ =	shalt  }
0x4a: {  	_ =	shalt  }
0x4b: {  	_ =	shalt  }
0x4c: {  	_ =	shalt  }
0x4d: {  	_ =	shalt  }
0x4e: {  	_ =	shalt  }
0x4f: {  	_ =	shalt  }
0x50: {  	_ =	shalt  }
0x51: {  	_ =	shalt  }
0x52: {  	_ =	shalt  }
0x53: {  	_ =	shalt  }
0x54: {  	_ =	shalt  }
0x55: {  	_ =	shalt  }
0x56: {  	_ =	shalt  }
0x57: {  	_ =	shalt  }
0x58: {  	_ =	shalt  }
0x59: {  	_ =	shalt  }
0x5a: {  	_ =	shalt  }
0x5b: {  	_ =	shalt  }
0x5c: {  	_ =	shalt  }
0x5d: {  	_ =	shalt  }
0x5e: {  	_ =	shalt  }
0x5f: {  	_ =	shalt  }
0x60: {  	_ =	shalt  }
0x61: {  	_ =	shalt  }
0x62: {  	_ =	shalt  }
0x63: {  	_ =	shalt  }
0x64: {  	_ =	shalt  }
0x65: {  	_ =	shalt  }
0x66: {  	_ =	shalt  }
0x67: {  	_ =	shalt  }
0x68: {  	_ =	shalt  }
0x69: {  	_ =	shalt  }
0x6a: {  	_ =	shalt  }
0x6b: {  	_ =	shalt  }
0x6c: {  	_ =	shalt  }
0x6d: {  	_ =	shalt  }
0x6e: {  	_ =	shalt  }
0x6f: {  	_ =	shalt  }
0x70: {  	_ =	shalt  }
0x71: {  	_ =	shalt  }
0x72: {  	_ =	shalt  }
0x73: {  	_ =	shalt  }
0x74: {  	_ =	shalt  }
0x75: {  	_ =	shalt  }
0x76: {  	_ =	shalt  }
0x77: {  	_ =	shalt  }
0x78: {  	_ =	shalt  }
0x79: {  	_ =	shalt  }
0x7a: {  	_ =	shalt  }
0x7b: {  	_ =	shalt  }
0x7c: {  	_ =	shalt  }
0x7d: {  	_ =	shalt  }
0x7e: {  	_ =	shalt  }
0x7f: {  	_ =	shalt  }
0x80: {  	_ =	shalt  }
0x81: {  	_ =	shalt  }
0x82: {  	_ =	shalt  }
0x83: {  	_ =	shalt  }
0x84: {  	_ =	shalt  }
0x85: {  	_ =	shalt  }
0x86: {  	_ =	shalt  }
0x87: {  	_ =	shalt  }
.Lfunc_end0:
.L_simem_size_0:
called_computation_lowered:
.L_overlay_start_0:
0x88: {  	s2 =	sld [smem:$0x3FD9]  }
0x89: {  	s3 =	sld [smem:$0x3FFE];
	_ =	sdelay $0x1  }
0x8a: {  	s1 =	srdreg.scid  }
0x8b: {  	s0 =	sand.u32 $0x1, s1  }
0x8c: {  	s17 =	sshll.u32 s0, $0xA;
	s2 =	sadd.s32 s3, s2  }
0x8d: {  	s2 =	sadd.s32 s2, s17  }
0x8e: {  	[smem:$0x3FC6] =	sst s2  }
0x8f: {  	_ = 	snop  }
0x90: {  	s2 =	sld [smem:$0x3FC8]  }
0x91: {  	s18 =	sld [smem:$0x3FD0];
	(tm) =	ssettm $0x1  }
0x92: {  	s4 =	sld [smem:$0x3FFB];
	_ =	sdelay $0x3  }
0x93: {  	_ =	strace s4  }
0x94: {  	s4 =	sld [smem:$0x3FFC];
	_ =	sdelay $0x3  }
0x95: {  	_ =	strace s4  }
0x96: {  	s4 =	sld [smem:$0x3FFD];
	_ =	sdelay $0x3  }
0x97: {  	_ =	strace s4  }
0x98: {  	_ =	strace $0x8FFFFFFF  }
0x99: {  	s19 =	sld [smem:$0x3FDB];
	_ =	sdelay $0x1  }
0x9a: {  	s5 =	simm.s32 $_scs_section_size  }
0x9b: {  	s6 =	simm.s32 $_size__tile_overlayer_lowered;
	s7 =	simm.s32 $_tile_overlayer_lowered  }
0x9c: {  	s22 =	simm.s32 $0x1BFF;
	s21 =	sshll.u32 s7, $0x1;
	s4 =	sadd.s32 s5, s19  }
0x9d: {  	s8 =	simm.s32 $0x0;
	s20 =	sshll.u32 s6, $0x1;
	s6 =	sadd.s32 s21, s4  }
0x9e: {  	[timem:s8], [sflag:s22] =	dma.local [hbm:s6], s20  }
0x9f: {  	_ =	swait.ge [sflag:s22], s20  }
0xa0: {  	s5 =	ssub.s32 $0x0, s20;
	[sflag:s22] =	ssyncset.done $0x0  }
0xa1: {  	[sflag:s22] =	ssyncadd.s32 s5;
	_ =	sdelay $0x1  }
0xa2: {  	s23 =	simm.s32 $0x1B8B  }
0xa3: {  	_ =	swait.ge [sflag:s23], $0x1  }
0xa4: {  	[sflag:s23] =	ssyncset.done $0x0  }
0xa5: {  	s25 =	simm.s32 $0x1B8E;
	s24 =	sld [smem:$0x3FFE];
	[sflag:s23] =	ssyncadd.s32 $0xFFFFFFFF  }
0xa6: {  	s26 =	simm.s32 $execute0_lowered;
	[smem:$0x3FD2] =	sst s25  }
0xa7: {  	s6 =	sshll.u32 s26, $0x1;
	_ =	strace $0x80000046;
	[dreg:$0x1] =	wrdreg $0xFFFFFFFF  }
0xa8: {  	s28 =	simm.s32 $_size_execute0_lowered;
	s4 =	sadd.s32 s4, s6;
	[dreg:$0x0] =	wrdreg $0x0  }
0xa9: {  	s6 =	sshll.u32 s28, $0x1;
	[dreg:$0x2] =	wrdreg s4  }
0xaa: {  	[dreg:$0x3] =	wrdreg s6  }
0xab: {  	[dreg:$0x4] =	wrdreg $0xC0  }
0xac: {  	_ =	task [dreg:s8], $0x5FFFF  }
0xad: {  	[dreg:$0x1] =	wrdreg $0xFFFFFFFF  }
0xae: {  	[dreg:$0x0] =	wrdreg $0x60  }
0xaf: {  	[dreg:$0x2] =	wrdreg s18  }
0xb0: {  	[dreg:$0x3] =	wrdreg s2  }
0xb1: {  	[dreg:$0x4] =	wrdreg s24  }
0xb2: {  	[dreg:$0x5] =	wrdreg $0x9  }
0xb3: {  	_ =	task.clear_ibuf [dreg:s8], $0x6FFFF;
	_ =	strace $0x90000046  }
0xb4: {  	s29 =	simm.s32 $0x9;
	_ =	strace $0x80000048  }
0xb5: {  	_ =	swait.ge [sflag:s29], $0x1  }
0xb6: {  	[sflag:s29] =	ssyncadd.s32 $0xFFFFFFFF  }
0xb7: {  	_ =	strace $0x90000048  }
0xb8: {  	_ =	sfence  }
0xb9: {  	s30 =	sld [smem:$0x0];
	_ =	sdelay $0x2  }
0xba: {  	s31 =	sshll.u32 s1, $0xD;
	s1 =	sshrl.u32 s1, $0x2  }
0xbb: {  	s3 =	sand.u32 $0x4000, s31;
	s1 =	sadd.s32 s1, s30  }
0xbc: {  	s0 =	sor.u32 s3, s0;
	s1 =	sshll.u32 s1, $0x11  }
0xbd: {  	s0 =	sor.u32 s1, s0  }
0xbe: {  	s0 =	sadd.s32 $0x8F2B, s0  }
0xbf: {  	[sflag:s0] =	ssyncadd.remote.s32 $0x1  }
0xc0: {  	_ =	sfence.sel $0xFFFF  }
0xc1: {  	[dreg:$0x0] =	wrdreg $0xFFFFFFFF;
	(pc) =	sbr.abs _section_cstart, $3  }
0xc2: {  	[dreg:$0x1] =	wrdreg $0xFFFFFFFF  }
0xc3: {  	_ =	task.clear_ibuf [dreg:s8], $0x2FFFF;
	_ =	strace $0x9FFFFFFF  }
0xc4: {  	(tm) =	ssettm $0x7FFFFFFF  }
0xc5: {  	_ =	shalt  }
tec
execute0_lowered:
.L_overlay_start_1:
0x0: {  	(tag) =	ssettag $0x1  }
0x1: {  	s0 =	rddreg [dreg:$0x0]  }
0x2: {  	s1 =	srdreg.scid;
	s2 =	rddreg [dreg:$0x1]  }
0x3: {  	s3 =	stileid.u32;
	s4 =	rddreg [dreg:$0x2];
	s9 =	simm.s32 $0x100  }
0x4: {  	s17 =	simm.s32 $0x1;
	s28 =	simm.s32 $0x2900;
	s29 =	simm.s32 $0x3100  }
0x5: {  	s30 =	simm.s32 $0x3900;
	s31 =	simm.s32 $0x4100;
	s15 =	simm.s32 $0x5100  }
0x6: {  	s8 =	simm.s32 $0x5900;
	s10 =	simm.s32 $0x6100;
	s1 =	sand.u32 $0x1, s1  }
0x7: {  	s11 =	simm.s32 $0x6900;
	s5 =	sshll.u32 s3, $0x9;
	s6 =	sshll.u32 s1, $0x8  }
0x8: {  	s12 =	simm.s32 $0x7100;
	s13 =	simm.s32 $0x7900;
	s5 =	sor.u32 s6, s5  }
0x9: {  	s3 =	simm.s32 $0x0;
	s6 =	sshll.u32 s5, $0x7;
	s5 =	sshrl.u32 s5, $0x3  }
0xa: {  	[smem:$0x7FF] =	sst s3;
	s7 =	sadd.s32 s6, s4;
	s0 =	sadd.s32 s0, s5  }
0xb: {  	_ =	strace $0x80000047;
	[dreg:$0x4] =	wrdreg s0;
	s18 =	sadd.s32 $0x600, s7  }
0xc: {  	s1 =	ssub.s32 $0x2, s1;
	s19 =	sadd.s32 $0x1600, s7;
	[dreg:$0x5] =	wrdreg s18  }
0xd: {  	s21 =	sshrl.u32 s1, $0x1;
	s20 =	sadd.s32 $0x2600, s7;
	[dreg:$0x6] =	wrdreg s19  }
0xe: {  	s1 =	ssub.s32 s1, s21;
	s22 =	sadd.s32 $0x3600, s7;
	[dreg:$0x7] =	wrdreg s20  }
0xf: {  	s4 =	sadd.s32 $0x100, s2;
	s23 =	sadd.s32 $0x4600, s7;
	[dreg:$0x8] =	wrdreg s22  }
0x10: {  	s5 =	sadd.s32 $0x200, s2;
	s24 =	sadd.s32 $0x5600, s7;
	[dreg:$0x9] =	wrdreg s23  }
0x11: {  	s6 =	sadd.s32 $0x300, s2;
	s25 =	sadd.s32 $0x6600, s7;
	[dreg:$0xa] =	wrdreg s24  }
0x12: {  	s26 =	sadd.s32 $0x7600, s7;
	s7 =	smax.u32 s1, $0x1;
	[dreg:$0xb] =	wrdreg s25  }
0x13: {  	v2 =	vlaneseq.u32;
	[dreg:$0xc] =	wrdreg s26;
	s25 =	simm.s32 $0x8100;
	s18 =	simm.s32 $0x3  }
0x14: {  	vm0 =	vmmov $0xffff;
	v1 =	vshrl.u32 v2, $0x3;
	s19 =	simm.s32 $0x2;
	s20 =	simm.s32 $0x4;
	s22 =	simm.s32 $0x900  }
0x15: {  	v0 =	vand.u32 $0x7, v2;
	v2 =	vor.u32 $0x8, v2;
	v1 =	vmul.u32 $0x8, v1;
	s23 =	simm.s32 $0x1100;
	s24 =	simm.s32 $0x1900;
	s26 =	simm.s32 $0x2100  }
.LBB2_1:
0x16: {  	s21 =	rddreg [dreg:$0x4];
	s14 =	simm.s32 $0x5  }
0x17: {  	[tilespmem:s3], [sflag:$0x5] =	stream.linear.gather [hbm4b:s21+s3], $0x100, $0x38;
	[tilespmem:$0x10100] =	vst v63  }
0x18: {  	_ =	swait.ge [sflag:s14], $0x100  }
0x19: {  	[sflag:s14] =	ssyncset.done $0x0  }
0x1a: {  	[sflag:s14] =	ssyncadd.s32 $0xFFFFFF00  }
0x1b: {  	v3 =	vld [tilespmem:$0x0];
	_ =	sdelay $0x4  }
0x1c: {  	v4 =	vshll.u32 v3, $0x3  }
0x1d: {  	v3 =	vand.u32 $0x7, v3;
	v4 =	vand.u32 $0xFFFFFFC0, v4  }
0x1e: {  	v3 =	vor.u32 v3, v4  }
0x1f: {  	v4 =	vperm.xlane v3, v0;
	_ =	sdelay $0x1  }
0x20: {  	v4 =	vadd.s32 v1, v4;
	_ =	sdelay $0x4  }
0x21: {  	[tilespmem:s9], [sflag:$0x1] =	stream.indirect_vreg.gather [hbm4b:s2+s3], $0x80, v4, vm0, $0xb8;
	[tilespmem:$0x10100] =	vst v63  }
0x22: {  	v3 =	vperm.xlane v3, v2  }
0x23: {  	[tilespmem:s22], [sflag:$0x1] =	stream.indirect_vreg.gather [hbm4b:s4+s3], $0x80, v4, vm0, $0xb8;
	[tilespmem:$0x10100] =	vst v63  }
0x24: {  	v3 =	vadd.s32 v1, v3  }
0x25: {  	[tilespmem:s23], [sflag:$0x1] =	stream.indirect_vreg.gather [hbm4b:s5+s3], $0x80, v4, vm0, $0xb8;
	[tilespmem:$0x10100] =	vst v63  }
0x26: {  	_ = 	snop  }
0x27: {  	[tilespmem:s24], [sflag:$0x1] =	stream.indirect_vreg.gather [hbm4b:s6+s3], $0x80, v4, vm0, $0xb8;
	[tilespmem:$0x10100] =	vst v63  }
0x28: {  	_ = 	snop  }
0x29: {  	[tilespmem:s26], [sflag:$0x1] =	stream.indirect_vreg.gather [hbm4b:s2+s3], $0x80, v3, vm0, $0xb8;
	[tilespmem:$0x10100] =	vst v63  }
0x2a: {  	_ = 	snop  }
0x2b: {  	[tilespmem:s28], [sflag:$0x1] =	stream.indirect_vreg.gather [hbm4b:s4+s3], $0x80, v3, vm0, $0xb8;
	[tilespmem:$0x10100] =	vst v63  }
0x2c: {  	_ = 	snop  }
0x2d: {  	[tilespmem:s29], [sflag:$0x1] =	stream.indirect_vreg.gather [hbm4b:s5+s3], $0x80, v3, vm0, $0xb8;
	[tilespmem:$0x10100] =	vst v63  }
0x2e: {  	_ = 	snop  }
0x2f: {  	[tilespmem:s30], [sflag:$0x1] =	stream.indirect_vreg.gather [hbm4b:s6+s3], $0x80, v3, vm0, $0xb8;
	[tilespmem:$0x10100] =	vst v63  }
0x30: {  	v3 =	vld [tilespmem:$0x10];
	_ =	sdelay $0x4  }
0x31: {  	v49 =	vshll.u32 v3, $0x3  }
0x32: {  	v3 =	vand.u32 $0x7, v3;
	v4 =	vand.u32 $0xFFFFFFC0, v49  }
0x33: {  	v3 =	vor.u32 v3, v4  }
0x34: {  	v4 =	vperm.xlane v3, v0;
	_ =	sdelay $0x1  }
0x35: {  	v4 =	vadd.s32 v1, v4;
	_ =	sdelay $0x4  }
0x36: {  	[tilespmem:s31], [sflag:$0x1] =	stream.indirect_vreg.gather [hbm4b:s2+s3], $0x80, v4, vm0, $0xb8;
	[tilespmem:$0x10100] =	vst v63  }
0x37: {  	s1 =	simm.s32 $0x4900;
	v3 =	vperm.xlane v3, v2  }
0x38: {  	[tilespmem:s1], [sflag:$0x1] =	stream.indirect_vreg.gather [hbm4b:s4+s3], $0x80, v4, vm0, $0xb8;
	[tilespmem:$0x10100] =	vst v63  }
0x39: {  	v3 =	vadd.s32 v1, v3  }
0x3a: {  	[tilespmem:s15], [sflag:$0x1] =	stream.indirect_vreg.gather [hbm4b:s5+s3], $0x80, v4, vm0, $0xb8;
	[tilespmem:$0x10100] =	vst v63  }
0x3b: {  	_ = 	snop  }
0x3c: {  	[tilespmem:s8], [sflag:$0x1] =	stream.indirect_vreg.gather [hbm4b:s6+s3], $0x80, v4, vm0, $0xb8;
	[tilespmem:$0x10100] =	vst v63  }
0x3d: {  	_ = 	snop  }
0x3e: {  	[tilespmem:s10], [sflag:$0x1] =	stream.indirect_vreg.gather [hbm4b:s2+s3], $0x80, v3, vm0, $0xb8;
	[tilespmem:$0x10100] =	vst v63  }
0x3f: {  	_ = 	snop  }
0x40: {  	[tilespmem:s11], [sflag:$0x1] =	stream.indirect_vreg.gather [hbm4b:s4+s3], $0x80, v3, vm0, $0xb8;
	[tilespmem:$0x10100] =	vst v63  }
0x41: {  	_ = 	snop  }
0x42: {  	[tilespmem:s12], [sflag:$0x1] =	stream.indirect_vreg.gather [hbm4b:s5+s3], $0x80, v3, vm0, $0xb8;
	[tilespmem:$0x10100] =	vst v63  }
0x43: {  	_ = 	snop  }
0x44: {  	[tilespmem:s13], [sflag:$0x1] =	stream.indirect_vreg.gather [hbm4b:s6+s3], $0x80, v3, vm0, $0xb8;
	[tilespmem:$0x10100] =	vst v63  }
0x45: {  	v3 =	vld [tilespmem:$0x20];
	_ =	sdelay $0x4  }
0x46: {  	v50 =	vshll.u32 v3, $0x3  }
0x47: {  	v3 =	vand.u32 $0x7, v3;
	v4 =	vand.u32 $0xFFFFFFC0, v50  }
0x48: {  	v3 =	vor.u32 v3, v4  }
0x49: {  	v4 =	vperm.xlane v3, v0;
	_ =	sdelay $0x1  }
0x4a: {  	v4 =	vadd.s32 v1, v4;
	_ =	sdelay $0x4  }
0x4b: {  	[tilespmem:s25], [sflag:$0x2] =	stream.indirect_vreg.gather [hbm4b:s2+s3], $0x80, v4, vm0, $0xb8;
	[tilespmem:$0x10100] =	vst v63  }
0x4c: {  	s14 =	simm.s32 $0x8900;
	v3 =	vperm.xlane v3, v2  }
0x4d: {  	[tilespmem:s14], [sflag:$0x2] =	stream.indirect_vreg.gather [hbm4b:s4+s3], $0x80, v4, vm0, $0xb8;
	[tilespmem:$0x10100] =	vst v63  }
0x4e: {  	s16 =	simm.s32 $0x9100;
	v3 =	vadd.s32 v1, v3  }
0x4f: {  	[tilespmem:s16], [sflag:$0x2] =	stream.indirect_vreg.gather [hbm4b:s5+s3], $0x80, v4, vm0, $0xb8;
	[tilespmem:$0x10100] =	vst v63  }
0x50: {  	s21 =	simm.s32 $0x9900  }
0x51: {  	[tilespmem:s21], [sflag:$0x2] =	stream.indirect_vreg.gather [hbm4b:s6+s3], $0x80, v4, vm0, $0xb8;
	[tilespmem:$0x10100] =	vst v63  }
0x52: {  	s16 =	simm.s32 $0xA100  }
0x53: {  	[tilespmem:s16], [sflag:$0x2] =	stream.indirect_vreg.gather [hbm4b:s2+s3], $0x80, v3, vm0, $0xb8;
	[tilespmem:$0x10100] =	vst v63  }
0x54: {  	s14 =	simm.s32 $0xA900  }
0x55: {  	[tilespmem:s14], [sflag:$0x2] =	stream.indirect_vreg.gather [hbm4b:s4+s3], $0x80, v3, vm0, $0xb8;
	[tilespmem:$0x10100] =	vst v63  }
0x56: {  	s16 =	simm.s32 $0xB100  }
0x57: {  	[tilespmem:s16], [sflag:$0x2] =	stream.indirect_vreg.gather [hbm4b:s5+s3], $0x80, v3, vm0, $0xb8;
	[tilespmem:$0x10100] =	vst v63  }
0x58: {  	s14 =	simm.s32 $0xB900  }
0x59: {  	[tilespmem:s14], [sflag:$0x2] =	stream.indirect_vreg.gather [hbm4b:s6+s3], $0x80, v3, vm0, $0xb8;
	[tilespmem:$0x10100] =	vst v63  }
0x5a: {  	v3 =	vld [tilespmem:$0x30];
	_ =	sdelay $0x4  }
0x5b: {  	v51 =	vshll.u32 v3, $0x3  }
0x5c: {  	v3 =	vand.u32 $0x7, v3;
	v4 =	vand.u32 $0xFFFFFFC0, v51  }
0x5d: {  	v3 =	vor.u32 v3, v4  }
0x5e: {  	v4 =	vperm.xlane v3, v0;
	_ =	sdelay $0x1  }
0x5f: {  	v4 =	vadd.s32 v1, v4;
	_ =	sdelay $0x3  }
0x60: {  	s16 =	simm.s32 $0xC100  }
0x61: {  	[tilespmem:s16], [sflag:$0x2] =	stream.indirect_vreg.gather [hbm4b:s2+s3], $0x80, v4, vm0, $0xb8;
	[tilespmem:$0x10100] =	vst v63  }
0x62: {  	s21 =	simm.s32 $0xC900;
	v3 =	vperm.xlane v3, v2  }
0x63: {  	[tilespmem:s21], [sflag:$0x2] =	stream.indirect_vreg.gather [hbm4b:s4+s3], $0x80, v4, vm0, $0xb8;
	[tilespmem:$0x10100] =	vst v63  }
0x64: {  	v3 =	vadd.s32 v1, v3;
	s21 =	simm.s32 $0xD100  }
0x65: {  	[tilespmem:s21], [sflag:$0x2] =	stream.indirect_vreg.gather [hbm4b:s5+s3], $0x80, v4, vm0, $0xb8;
	[tilespmem:$0x10100] =	vst v63  }
0x66: {  	s21 =	simm.s32 $0xD900  }
0x67: {  	[tilespmem:s21], [sflag:$0x2] =	stream.indirect_vreg.gather [hbm4b:s6+s3], $0x80, v4, vm0, $0xb8;
	[tilespmem:$0x10100] =	vst v63  }
0x68: {  	s21 =	simm.s32 $0xE100  }
0x69: {  	[tilespmem:s21], [sflag:$0x2] =	stream.indirect_vreg.gather [hbm4b:s2+s3], $0x80, v3, vm0, $0xb8;
	[tilespmem:$0x10100] =	vst v63  }
0x6a: {  	s21 =	simm.s32 $0xE900  }
0x6b: {  	[tilespmem:s21], [sflag:$0x2] =	stream.indirect_vreg.gather [hbm4b:s4+s3], $0x80, v3, vm0, $0xb8;
	[tilespmem:$0x10100] =	vst v63  }
0x6c: {  	s21 =	simm.s32 $0xF100  }
0x6d: {  	[tilespmem:s21], [sflag:$0x2] =	stream.indirect_vreg.gather [hbm4b:s5+s3], $0x80, v3, vm0, $0xb8;
	[tilespmem:$0x10100] =	vst v63  }
0x6e: {  	s21 =	simm.s32 $0xF900  }
0x6f: {  	[tilespmem:s21], [sflag:$0x2] =	stream.indirect_vreg.gather [hbm4b:s6+s3], $0x80, v3, vm0, $0xb8;
	[tilespmem:$0x10100] =	vst v63  }
0x70: {  	_ =	swait.ge [sflag:s17], $0x8000  }
0x71: {  	[sflag:s17] =	ssyncset.done $0x0  }
0x72: {  	s21 =	rddreg [dreg:$0x5];
	[sflag:s17] =	ssyncadd.s32 $0xFFFF8000  }
0x73: {  	[hbm4b:s21+s3] =	stream.linear.scatter [tilespmem:s9], [sflag:$0x3], $0x8000, $0x38;
	[tilespmem:$0x10100] =	vst v63  }
0x74: {  	_ =	swait.ge [sflag:s18], $0x8000  }
0x75: {  	[sflag:s18] =	ssyncset.done $0x0  }
0x76: {  	[sflag:s18] =	ssyncadd.s32 $0xFFFF8000  }
0x77: {  	v3 =	vld [tilespmem:$0x40];
	_ =	sdelay $0x4  }
0x78: {  	v52 =	vshll.u32 v3, $0x3  }
0x79: {  	v3 =	vand.u32 $0x7, v3;
	v4 =	vand.u32 $0xFFFFFFC0, v52  }
0x7a: {  	v3 =	vor.u32 v3, v4  }
0x7b: {  	v4 =	vperm.xlane v3, v0;
	_ =	sdelay $0x1  }
0x7c: {  	v4 =	vadd.s32 v1, v4;
	_ =	sdelay $0x4  }
0x7d: {  	[tilespmem:s9], [sflag:$0x1] =	stream.indirect_vreg.gather [hbm4b:s2+s3], $0x80, v4, vm0, $0xb8;
	[tilespmem:$0x10100] =	vst v63  }
0x7e: {  	v3 =	vperm.xlane v3, v2  }
0x7f: {  	[tilespmem:s22], [sflag:$0x1] =	stream.indirect_vreg.gather [hbm4b:s4+s3], $0x80, v4, vm0, $0xb8;
	[tilespmem:$0x10100] =	vst v63  }
0x80: {  	v3 =	vadd.s32 v1, v3  }
0x81: {  	[tilespmem:s23], [sflag:$0x1] =	stream.indirect_vreg.gather [hbm4b:s5+s3], $0x80, v4, vm0, $0xb8;
	[tilespmem:$0x10100] =	vst v63  }
0x82: {  	_ = 	snop  }
0x83: {  	[tilespmem:s24], [sflag:$0x1] =	stream.indirect_vreg.gather [hbm4b:s6+s3], $0x80, v4, vm0, $0xb8;
	[tilespmem:$0x10100] =	vst v63  }
0x84: {  	_ = 	snop  }
0x85: {  	[tilespmem:s26], [sflag:$0x1] =	stream.indirect_vreg.gather [hbm4b:s2+s3], $0x80, v3, vm0, $0xb8;
	[tilespmem:$0x10100] =	vst v63  }
0x86: {  	_ = 	snop  }
0x87: {  	[tilespmem:s28], [sflag:$0x1] =	stream.indirect_vreg.gather [hbm4b:s4+s3], $0x80, v3, vm0, $0xb8;
	[tilespmem:$0x10100] =	vst v63  }
0x88: {  	_ = 	snop  }
0x89: {  	[tilespmem:s29], [sflag:$0x1] =	stream.indirect_vreg.gather [hbm4b:s5+s3], $0x80, v3, vm0, $0xb8;
	[tilespmem:$0x10100] =	vst v63  }
0x8a: {  	_ = 	snop  }
0x8b: {  	[tilespmem:s30], [sflag:$0x1] =	stream.indirect_vreg.gather [hbm4b:s6+s3], $0x80, v3, vm0, $0xb8;
	[tilespmem:$0x10100] =	vst v63  }
0x8c: {  	v3 =	vld [tilespmem:$0x50];
	_ =	sdelay $0x4  }
0x8d: {  	v53 =	vshll.u32 v3, $0x3  }
0x8e: {  	v3 =	vand.u32 $0x7, v3;
	v4 =	vand.u32 $0xFFFFFFC0, v53  }
0x8f: {  	v3 =	vor.u32 v3, v4  }
0x90: {  	v4 =	vperm.xlane v3, v0;
	_ =	sdelay $0x1  }
0x91: {  	v4 =	vadd.s32 v1, v4;
	_ =	sdelay $0x4  }
0x92: {  	[tilespmem:s31], [sflag:$0x1] =	stream.indirect_vreg.gather [hbm4b:s2+s3], $0x80, v4, vm0, $0xb8;
	[tilespmem:$0x10100] =	vst v63  }
0x93: {  	v3 =	vperm.xlane v3, v2  }
0x94: {  	[tilespmem:s1], [sflag:$0x1] =	stream.indirect_vreg.gather [hbm4b:s4+s3], $0x80, v4, vm0, $0xb8;
	[tilespmem:$0x10100] =	vst v63  }
0x95: {  	v3 =	vadd.s32 v1, v3  }
0x96: {  	[tilespmem:s15], [sflag:$0x1] =	stream.indirect_vreg.gather [hbm4b:s5+s3], $0x80, v4, vm0, $0xb8;
	[tilespmem:$0x10100] =	vst v63  }
0x97: {  	_ = 	snop  }
0x98: {  	[tilespmem:s8], [sflag:$0x1] =	stream.indirect_vreg.gather [hbm4b:s6+s3], $0x80, v4, vm0, $0xb8;
	[tilespmem:$0x10100] =	vst v63  }
0x99: {  	_ = 	snop  }
0x9a: {  	[tilespmem:s10], [sflag:$0x1] =	stream.indirect_vreg.gather [hbm4b:s2+s3], $0x80, v3, vm0, $0xb8;
	[tilespmem:$0x10100] =	vst v63  }
0x9b: {  	_ = 	snop  }
0x9c: {  	[tilespmem:s11], [sflag:$0x1] =	stream.indirect_vreg.gather [hbm4b:s4+s3], $0x80, v3, vm0, $0xb8;
	[tilespmem:$0x10100] =	vst v63  }
0x9d: {  	_ = 	snop  }
0x9e: {  	[tilespmem:s12], [sflag:$0x1] =	stream.indirect_vreg.gather [hbm4b:s5+s3], $0x80, v3, vm0, $0xb8;
	[tilespmem:$0x10100] =	vst v63  }
0x9f: {  	_ = 	snop  }
0xa0: {  	[tilespmem:s13], [sflag:$0x1] =	stream.indirect_vreg.gather [hbm4b:s6+s3], $0x80, v3, vm0, $0xb8;
	[tilespmem:$0x10100] =	vst v63  }
0xa1: {  	_ =	swait.ge [sflag:s19], $0x8000  }
0xa2: {  	[sflag:s19] =	ssyncset.done $0x0  }
0xa3: {  	s21 =	rddreg [dreg:$0x6];
	[sflag:s19] =	ssyncadd.s32 $0xFFFF8000  }
0xa4: {  	[hbm4b:s21+s3] =	stream.linear.scatter [tilespmem:s25], [sflag:$0x4], $0x8000, $0x38;
	[tilespmem:$0x10100] =	vst v63  }
0xa5: {  	_ =	swait.ge [sflag:s20], $0x8000  }
0xa6: {  	[sflag:s20] =	ssyncset.done $0x0  }
0xa7: {  	[sflag:s20] =	ssyncadd.s32 $0xFFFF8000  }
0xa8: {  	v3 =	vld [tilespmem:$0x60];
	_ =	sdelay $0x4  }
0xa9: {  	v54 =	vshll.u32 v3, $0x3  }
0xaa: {  	v3 =	vand.u32 $0x7, v3;
	v4 =	vand.u32 $0xFFFFFFC0, v54  }
0xab: {  	v3 =	vor.u32 v3, v4  }
0xac: {  	v4 =	vperm.xlane v3, v0;
	_ =	sdelay $0x1  }
0xad: {  	v4 =	vadd.s32 v1, v4;
	_ =	sdelay $0x4  }
0xae: {  	[tilespmem:s25], [sflag:$0x2] =	stream.indirect_vreg.gather [hbm4b:s2+s3], $0x80, v4, vm0, $0xb8;
	[tilespmem:$0x10100] =	vst v63  }
0xaf: {  	s0 =	simm.s32 $0x8900;
	v3 =	vperm.xlane v3, v2  }
0xb0: {  	[tilespmem:s0], [sflag:$0x2] =	stream.indirect_vreg.gather [hbm4b:s4+s3], $0x80, v4, vm0, $0xb8;
	[tilespmem:$0x10100] =	vst v63  }
0xb1: {  	v3 =	vadd.s32 v1, v3;
	s0 =	simm.s32 $0x9100  }
0xb2: {  	[tilespmem:s0], [sflag:$0x2] =	stream.indirect_vreg.gather [hbm4b:s5+s3], $0x80, v4, vm0, $0xb8;
	[tilespmem:$0x10100] =	vst v63  }
0xb3: {  	s21 =	simm.s32 $0x9900  }
0xb4: {  	[tilespmem:s21], [sflag:$0x2] =	stream.indirect_vreg.gather [hbm4b:s6+s3], $0x80, v4, vm0, $0xb8;
	[tilespmem:$0x10100] =	vst v63  }
0xb5: {  	s21 =	simm.s32 $0xA100  }
0xb6: {  	[tilespmem:s21], [sflag:$0x2] =	stream.indirect_vreg.gather [hbm4b:s2+s3], $0x80, v3, vm0, $0xb8;
	[tilespmem:$0x10100] =	vst v63  }
0xb7: {  	s21 =	simm.s32 $0xA900  }
0xb8: {  	[tilespmem:s21], [sflag:$0x2] =	stream.indirect_vreg.gather [hbm4b:s4+s3], $0x80, v3, vm0, $0xb8;
	[tilespmem:$0x10100] =	vst v63  }
0xb9: {  	s21 =	simm.s32 $0xB100  }
0xba: {  	[tilespmem:s21], [sflag:$0x2] =	stream.indirect_vreg.gather [hbm4b:s5+s3], $0x80, v3, vm0, $0xb8;
	[tilespmem:$0x10100] =	vst v63  }
0xbb: {  	s14 =	simm.s32 $0xB900  }
0xbc: {  	[tilespmem:s14], [sflag:$0x2] =	stream.indirect_vreg.gather [hbm4b:s6+s3], $0x80, v3, vm0, $0xb8;
	[tilespmem:$0x10100] =	vst v63  }
0xbd: {  	v3 =	vld [tilespmem:$0x70];
	_ =	sdelay $0x4  }
0xbe: {  	v55 =	vshll.u32 v3, $0x3  }
0xbf: {  	v3 =	vand.u32 $0x7, v3;
	v4 =	vand.u32 $0xFFFFFFC0, v55  }
0xc0: {  	v3 =	vor.u32 v3, v4  }
0xc1: {  	v4 =	vperm.xlane v3, v0;
	_ =	sdelay $0x1  }
0xc2: {  	v4 =	vadd.s32 v1, v4;
	_ =	sdelay $0x3  }
0xc3: {  	s16 =	simm.s32 $0xC100  }
0xc4: {  	[tilespmem:s16], [sflag:$0x2] =	stream.indirect_vreg.gather [hbm4b:s2+s3], $0x80, v4, vm0, $0xb8;
	[tilespmem:$0x10100] =	vst v63  }
0xc5: {  	s21 =	simm.s32 $0xC900;
	v3 =	vperm.xlane v3, v2  }
0xc6: {  	[tilespmem:s21], [sflag:$0x2] =	stream.indirect_vreg.gather [hbm4b:s4+s3], $0x80, v4, vm0, $0xb8;
	[tilespmem:$0x10100] =	vst v63  }
0xc7: {  	v3 =	vadd.s32 v1, v3;
	s16 =	simm.s32 $0xD100  }
0xc8: {  	[tilespmem:s16], [sflag:$0x2] =	stream.indirect_vreg.gather [hbm4b:s5+s3], $0x80, v4, vm0, $0xb8;
	[tilespmem:$0x10100] =	vst v63  }
0xc9: {  	s21 =	simm.s32 $0xD900  }
0xca: {  	[tilespmem:s21], [sflag:$0x2] =	stream.indirect_vreg.gather [hbm4b:s6+s3], $0x80, v4, vm0, $0xb8;
	[tilespmem:$0x10100] =	vst v63  }
0xcb: {  	s16 =	simm.s32 $0xE100  }
0xcc: {  	[tilespmem:s16], [sflag:$0x2] =	stream.indirect_vreg.gather [hbm4b:s2+s3], $0x80, v3, vm0, $0xb8;
	[tilespmem:$0x10100] =	vst v63  }
0xcd: {  	s21 =	simm.s32 $0xE900  }
0xce: {  	[tilespmem:s21], [sflag:$0x2] =	stream.indirect_vreg.gather [hbm4b:s4+s3], $0x80, v3, vm0, $0xb8;
	[tilespmem:$0x10100] =	vst v63  }
0xcf: {  	s16 =	simm.s32 $0xF100  }
0xd0: {  	[tilespmem:s16], [sflag:$0x2] =	stream.indirect_vreg.gather [hbm4b:s5+s3], $0x80, v3, vm0, $0xb8;
	[tilespmem:$0x10100] =	vst v63  }
0xd1: {  	s21 =	simm.s32 $0xF900  }
0xd2: {  	[tilespmem:s21], [sflag:$0x2] =	stream.indirect_vreg.gather [hbm4b:s6+s3], $0x80, v3, vm0, $0xb8;
	[tilespmem:$0x10100] =	vst v63  }
0xd3: {  	_ =	swait.ge [sflag:s17], $0x8000  }
0xd4: {  	[sflag:s17] =	ssyncset.done $0x0  }
0xd5: {  	s16 =	rddreg [dreg:$0x7];
	[sflag:s17] =	ssyncadd.s32 $0xFFFF8000  }
0xd6: {  	[hbm4b:s16+s3] =	stream.linear.scatter [tilespmem:s9], [sflag:$0x3], $0x8000, $0x38;
	[tilespmem:$0x10100] =	vst v63  }
0xd7: {  	_ =	swait.ge [sflag:s18], $0x8000  }
0xd8: {  	[sflag:s18] =	ssyncset.done $0x0  }
0xd9: {  	[sflag:s18] =	ssyncadd.s32 $0xFFFF8000  }
0xda: {  	v3 =	vld [tilespmem:$0x80];
	_ =	sdelay $0x4  }
0xdb: {  	v56 =	vshll.u32 v3, $0x3  }
0xdc: {  	v3 =	vand.u32 $0x7, v3;
	v4 =	vand.u32 $0xFFFFFFC0, v56  }
0xdd: {  	v3 =	vor.u32 v3, v4  }
0xde: {  	v4 =	vperm.xlane v3, v0;
	_ =	sdelay $0x1  }
0xdf: {  	v4 =	vadd.s32 v1, v4;
	_ =	sdelay $0x4  }
0xe0: {  	[tilespmem:s9], [sflag:$0x1] =	stream.indirect_vreg.gather [hbm4b:s2+s3], $0x80, v4, vm0, $0xb8;
	[tilespmem:$0x10100] =	vst v63  }
0xe1: {  	v3 =	vperm.xlane v3, v2  }
0xe2: {  	[tilespmem:s22], [sflag:$0x1] =	stream.indirect_vreg.gather [hbm4b:s4+s3], $0x80, v4, vm0, $0xb8;
	[tilespmem:$0x10100] =	vst v63  }
0xe3: {  	v3 =	vadd.s32 v1, v3  }
0xe4: {  	[tilespmem:s23], [sflag:$0x1] =	stream.indirect_vreg.gather [hbm4b:s5+s3], $0x80, v4, vm0, $0xb8;
	[tilespmem:$0x10100] =	vst v63  }
0xe5: {  	_ = 	snop  }
0xe6: {  	[tilespmem:s24], [sflag:$0x1] =	stream.indirect_vreg.gather [hbm4b:s6+s3], $0x80, v4, vm0, $0xb8;
	[tilespmem:$0x10100] =	vst v63  }
0xe7: {  	_ = 	snop  }
0xe8: {  	[tilespmem:s26], [sflag:$0x1] =	stream.indirect_vreg.gather [hbm4b:s2+s3], $0x80, v3, vm0, $0xb8;
	[tilespmem:$0x10100] =	vst v63  }
0xe9: {  	_ = 	snop  }
0xea: {  	[tilespmem:s28], [sflag:$0x1] =	stream.indirect_vreg.gather [hbm4b:s4+s3], $0x80, v3, vm0, $0xb8;
	[tilespmem:$0x10100] =	vst v63  }
0xeb: {  	_ = 	snop  }
0xec: {  	[tilespmem:s29], [sflag:$0x1] =	stream.indirect_vreg.gather [hbm4b:s5+s3], $0x80, v3, vm0, $0xb8;
	[tilespmem:$0x10100] =	vst v63  }
0xed: {  	_ = 	snop  }
0xee: {  	[tilespmem:s30], [sflag:$0x1] =	stream.indirect_vreg.gather [hbm4b:s6+s3], $0x80, v3, vm0, $0xb8;
	[tilespmem:$0x10100] =	vst v63  }
0xef: {  	v3 =	vld [tilespmem:$0x90];
	_ =	sdelay $0x4  }
0xf0: {  	v57 =	vshll.u32 v3, $0x3  }
0xf1: {  	v3 =	vand.u32 $0x7, v3;
	v4 =	vand.u32 $0xFFFFFFC0, v57  }
0xf2: {  	v3 =	vor.u32 v3, v4  }
0xf3: {  	v4 =	vperm.xlane v3, v0;
	_ =	sdelay $0x1  }
0xf4: {  	v4 =	vadd.s32 v1, v4;
	_ =	sdelay $0x4  }
0xf5: {  	[tilespmem:s31], [sflag:$0x1] =	stream.indirect_vreg.gather [hbm4b:s2+s3], $0x80, v4, vm0, $0xb8;
	[tilespmem:$0x10100] =	vst v63  }
0xf6: {  	v3 =	vperm.xlane v3, v2  }
0xf7: {  	[tilespmem:s1], [sflag:$0x1] =	stream.indirect_vreg.gather [hbm4b:s4+s3], $0x80, v4, vm0, $0xb8;
	[tilespmem:$0x10100] =	vst v63  }
0xf8: {  	v3 =	vadd.s32 v1, v3  }
0xf9: {  	[tilespmem:s15], [sflag:$0x1] =	stream.indirect_vreg.gather [hbm4b:s5+s3], $0x80, v4, vm0, $0xb8;
	[tilespmem:$0x10100] =	vst v63  }
0xfa: {  	_ = 	snop  }
0xfb: {  	[tilespmem:s8], [sflag:$0x1] =	stream.indirect_vreg.gather [hbm4b:s6+s3], $0x80, v4, vm0, $0xb8;
	[tilespmem:$0x10100] =	vst v63  }
0xfc: {  	_ = 	snop  }
0xfd: {  	[tilespmem:s10], [sflag:$0x1] =	stream.indirect_vreg.gather [hbm4b:s2+s3], $0x80, v3, vm0, $0xb8;
	[tilespmem:$0x10100] =	vst v63  }
0xfe: {  	_ = 	snop  }
0xff: {  	[tilespmem:s11], [sflag:$0x1] =	stream.indirect_vreg.gather [hbm4b:s4+s3], $0x80, v3, vm0, $0xb8;
	[tilespmem:$0x10100] =	vst v63  }
0x100: {  	_ = 	snop  }
0x101: {  	[tilespmem:s12], [sflag:$0x1] =	stream.indirect_vreg.gather [hbm4b:s5+s3], $0x80, v3, vm0, $0xb8;
	[tilespmem:$0x10100] =	vst v63  }
0x102: {  	_ = 	snop  }
0x103: {  	[tilespmem:s13], [sflag:$0x1] =	stream.indirect_vreg.gather [hbm4b:s6+s3], $0x80, v3, vm0, $0xb8;
	[tilespmem:$0x10100] =	vst v63  }
0x104: {  	_ =	swait.ge [sflag:s19], $0x8000  }
0x105: {  	[sflag:s19] =	ssyncset.done $0x0  }
0x106: {  	s14 =	rddreg [dreg:$0x8];
	[sflag:s19] =	ssyncadd.s32 $0xFFFF8000  }
0x107: {  	[hbm4b:s14+s3] =	stream.linear.scatter [tilespmem:s25], [sflag:$0x4], $0x8000, $0x38;
	[tilespmem:$0x10100] =	vst v63  }
0x108: {  	_ =	swait.ge [sflag:s20], $0x8000  }
0x109: {  	[sflag:s20] =	ssyncset.done $0x0  }
0x10a: {  	[sflag:s20] =	ssyncadd.s32 $0xFFFF8000  }
0x10b: {  	v3 =	vld [tilespmem:$0xA0];
	_ =	sdelay $0x4  }
0x10c: {  	v58 =	vshll.u32 v3, $0x3  }
0x10d: {  	v3 =	vand.u32 $0x7, v3;
	v4 =	vand.u32 $0xFFFFFFC0, v58  }
0x10e: {  	v3 =	vor.u32 v3, v4  }
0x10f: {  	v4 =	vperm.xlane v3, v0;
	_ =	sdelay $0x1  }
0x110: {  	v4 =	vadd.s32 v1, v4;
	_ =	sdelay $0x4  }
0x111: {  	[tilespmem:s25], [sflag:$0x2] =	stream.indirect_vreg.gather [hbm4b:s2+s3], $0x80, v4, vm0, $0xb8;
	[tilespmem:$0x10100] =	vst v63  }
0x112: {  	s16 =	simm.s32 $0x8900;
	v3 =	vperm.xlane v3, v2  }
0x113: {  	[tilespmem:s16], [sflag:$0x2] =	stream.indirect_vreg.gather [hbm4b:s4+s3], $0x80, v4, vm0, $0xb8;
	[tilespmem:$0x10100] =	vst v63  }
0x114: {  	v3 =	vadd.s32 v1, v3  }
0x115: {  	[tilespmem:s0], [sflag:$0x2] =	stream.indirect_vreg.gather [hbm4b:s5+s3], $0x80, v4, vm0, $0xb8;
	[tilespmem:$0x10100] =	vst v63  }
0x116: {  	s21 =	simm.s32 $0x9900  }
0x117: {  	[tilespmem:s21], [sflag:$0x2] =	stream.indirect_vreg.gather [hbm4b:s6+s3], $0x80, v4, vm0, $0xb8;
	[tilespmem:$0x10100] =	vst v63  }
0x118: {  	s16 =	simm.s32 $0xA100  }
0x119: {  	[tilespmem:s16], [sflag:$0x2] =	stream.indirect_vreg.gather [hbm4b:s2+s3], $0x80, v3, vm0, $0xb8;
	[tilespmem:$0x10100] =	vst v63  }
0x11a: {  	s21 =	simm.s32 $0xA900  }
0x11b: {  	[tilespmem:s21], [sflag:$0x2] =	stream.indirect_vreg.gather [hbm4b:s4+s3], $0x80, v3, vm0, $0xb8;
	[tilespmem:$0x10100] =	vst v63  }
0x11c: {  	s21 =	simm.s32 $0xB100  }
0x11d: {  	[tilespmem:s21], [sflag:$0x2] =	stream.indirect_vreg.gather [hbm4b:s5+s3], $0x80, v3, vm0, $0xb8;
	[tilespmem:$0x10100] =	vst v63  }
0x11e: {  	s21 =	simm.s32 $0xB900  }
0x11f: {  	[tilespmem:s21], [sflag:$0x2] =	stream.indirect_vreg.gather [hbm4b:s6+s3], $0x80, v3, vm0, $0xb8;
	[tilespmem:$0x10100] =	vst v63  }
0x120: {  	v3 =	vld [tilespmem:$0xB0];
	_ =	sdelay $0x4  }
0x121: {  	v59 =	vshll.u32 v3, $0x3  }
0x122: {  	v3 =	vand.u32 $0x7, v3;
	v4 =	vand.u32 $0xFFFFFFC0, v59  }
0x123: {  	v3 =	vor.u32 v3, v4  }
0x124: {  	v4 =	vperm.xlane v3, v0;
	_ =	sdelay $0x1  }
0x125: {  	v4 =	vadd.s32 v1, v4;
	_ =	sdelay $0x3  }
0x126: {  	s21 =	simm.s32 $0xC100  }
0x127: {  	[tilespmem:s21], [sflag:$0x2] =	stream.indirect_vreg.gather [hbm4b:s2+s3], $0x80, v4, vm0, $0xb8;
	[tilespmem:$0x10100] =	vst v63  }
0x128: {  	v3 =	vperm.xlane v3, v2;
	s21 =	simm.s32 $0xC900  }
0x129: {  	[tilespmem:s21], [sflag:$0x2] =	stream.indirect_vreg.gather [hbm4b:s4+s3], $0x80, v4, vm0, $0xb8;
	[tilespmem:$0x10100] =	vst v63  }
0x12a: {  	v3 =	vadd.s32 v1, v3;
	s21 =	simm.s32 $0xD100  }
0x12b: {  	[tilespmem:s21], [sflag:$0x2] =	stream.indirect_vreg.gather [hbm4b:s5+s3], $0x80, v4, vm0, $0xb8;
	[tilespmem:$0x10100] =	vst v63  }
0x12c: {  	s21 =	simm.s32 $0xD900  }
0x12d: {  	[tilespmem:s21], [sflag:$0x2] =	stream.indirect_vreg.gather [hbm4b:s6+s3], $0x80, v4, vm0, $0xb8;
	[tilespmem:$0x10100] =	vst v63  }
0x12e: {  	s21 =	simm.s32 $0xE100  }
0x12f: {  	[tilespmem:s21], [sflag:$0x2] =	stream.indirect_vreg.gather [hbm4b:s2+s3], $0x80, v3, vm0, $0xb8;
	[tilespmem:$0x10100] =	vst v63  }
0x130: {  	s21 =	simm.s32 $0xE900  }
0x131: {  	[tilespmem:s21], [sflag:$0x2] =	stream.indirect_vreg.gather [hbm4b:s4+s3], $0x80, v3, vm0, $0xb8;
	[tilespmem:$0x10100] =	vst v63  }
0x132: {  	s21 =	simm.s32 $0xF100  }
0x133: {  	[tilespmem:s21], [sflag:$0x2] =	stream.indirect_vreg.gather [hbm4b:s5+s3], $0x80, v3, vm0, $0xb8;
	[tilespmem:$0x10100] =	vst v63  }
0x134: {  	s21 =	simm.s32 $0xF900  }
0x135: {  	[tilespmem:s21], [sflag:$0x2] =	stream.indirect_vreg.gather [hbm4b:s6+s3], $0x80, v3, vm0, $0xb8;
	[tilespmem:$0x10100] =	vst v63  }
0x136: {  	_ =	swait.ge [sflag:s17], $0x8000  }
0x137: {  	[sflag:s17] =	ssyncset.done $0x0  }
0x138: {  	s21 =	rddreg [dreg:$0x9];
	[sflag:s17] =	ssyncadd.s32 $0xFFFF8000  }
0x139: {  	[hbm4b:s21+s3] =	stream.linear.scatter [tilespmem:s9], [sflag:$0x3], $0x8000, $0x38;
	[tilespmem:$0x10100] =	vst v63  }
0x13a: {  	_ =	swait.ge [sflag:s18], $0x8000  }
0x13b: {  	[sflag:s18] =	ssyncset.done $0x0  }
0x13c: {  	[sflag:s18] =	ssyncadd.s32 $0xFFFF8000  }
0x13d: {  	v3 =	vld [tilespmem:$0xC0];
	_ =	sdelay $0x4  }
0x13e: {  	v60 =	vshll.u32 v3, $0x3  }
0x13f: {  	v3 =	vand.u32 $0x7, v3;
	v4 =	vand.u32 $0xFFFFFFC0, v60  }
0x140: {  	v3 =	vor.u32 v3, v4  }
0x141: {  	v4 =	vperm.xlane v3, v0;
	_ =	sdelay $0x1  }
0x142: {  	v4 =	vadd.s32 v1, v4;
	_ =	sdelay $0x4  }
0x143: {  	[tilespmem:s9], [sflag:$0x1] =	stream.indirect_vreg.gather [hbm4b:s2+s3], $0x80, v4, vm0, $0xb8;
	[tilespmem:$0x10100] =	vst v63  }
0x144: {  	v3 =	vperm.xlane v3, v2  }
0x145: {  	[tilespmem:s22], [sflag:$0x1] =	stream.indirect_vreg.gather [hbm4b:s4+s3], $0x80, v4, vm0, $0xb8;
	[tilespmem:$0x10100] =	vst v63  }
0x146: {  	v3 =	vadd.s32 v1, v3  }
0x147: {  	[tilespmem:s23], [sflag:$0x1] =	stream.indirect_vreg.gather [hbm4b:s5+s3], $0x80, v4, vm0, $0xb8;
	[tilespmem:$0x10100] =	vst v63  }
0x148: {  	_ = 	snop  }
0x149: {  	[tilespmem:s24], [sflag:$0x1] =	stream.indirect_vreg.gather [hbm4b:s6+s3], $0x80, v4, vm0, $0xb8;
	[tilespmem:$0x10100] =	vst v63  }
0x14a: {  	_ = 	snop  }
0x14b: {  	[tilespmem:s26], [sflag:$0x1] =	stream.indirect_vreg.gather [hbm4b:s2+s3], $0x80, v3, vm0, $0xb8;
	[tilespmem:$0x10100] =	vst v63  }
0x14c: {  	_ = 	snop  }
0x14d: {  	[tilespmem:s28], [sflag:$0x1] =	stream.indirect_vreg.gather [hbm4b:s4+s3], $0x80, v3, vm0, $0xb8;
	[tilespmem:$0x10100] =	vst v63  }
0x14e: {  	_ = 	snop  }
0x14f: {  	[tilespmem:s29], [sflag:$0x1] =	stream.indirect_vreg.gather [hbm4b:s5+s3], $0x80, v3, vm0, $0xb8;
	[tilespmem:$0x10100] =	vst v63  }
0x150: {  	_ = 	snop  }
0x151: {  	[tilespmem:s30], [sflag:$0x1] =	stream.indirect_vreg.gather [hbm4b:s6+s3], $0x80, v3, vm0, $0xb8;
	[tilespmem:$0x10100] =	vst v63  }
0x152: {  	v3 =	vld [tilespmem:$0xD0];
	_ =	sdelay $0x4  }
0x153: {  	v61 =	vshll.u32 v3, $0x3  }
0x154: {  	v3 =	vand.u32 $0x7, v3;
	v4 =	vand.u32 $0xFFFFFFC0, v61  }
0x155: {  	v3 =	vor.u32 v3, v4  }
0x156: {  	v4 =	vperm.xlane v3, v0;
	_ =	sdelay $0x1  }
0x157: {  	v4 =	vadd.s32 v1, v4;
	_ =	sdelay $0x4  }
0x158: {  	[tilespmem:s31], [sflag:$0x1] =	stream.indirect_vreg.gather [hbm4b:s2+s3], $0x80, v4, vm0, $0xb8;
	[tilespmem:$0x10100] =	vst v63  }
0x159: {  	v3 =	vperm.xlane v3, v2  }
0x15a: {  	[tilespmem:s1], [sflag:$0x1] =	stream.indirect_vreg.gather [hbm4b:s4+s3], $0x80, v4, vm0, $0xb8;
	[tilespmem:$0x10100] =	vst v63  }
0x15b: {  	v3 =	vadd.s32 v1, v3  }
0x15c: {  	[tilespmem:s15], [sflag:$0x1] =	stream.indirect_vreg.gather [hbm4b:s5+s3], $0x80, v4, vm0, $0xb8;
	[tilespmem:$0x10100] =	vst v63  }
0x15d: {  	_ = 	snop  }
0x15e: {  	[tilespmem:s8], [sflag:$0x1] =	stream.indirect_vreg.gather [hbm4b:s6+s3], $0x80, v4, vm0, $0xb8;
	[tilespmem:$0x10100] =	vst v63  }
0x15f: {  	_ = 	snop  }
0x160: {  	[tilespmem:s10], [sflag:$0x1] =	stream.indirect_vreg.gather [hbm4b:s2+s3], $0x80, v3, vm0, $0xb8;
	[tilespmem:$0x10100] =	vst v63  }
0x161: {  	_ = 	snop  }
0x162: {  	[tilespmem:s11], [sflag:$0x1] =	stream.indirect_vreg.gather [hbm4b:s4+s3], $0x80, v3, vm0, $0xb8;
	[tilespmem:$0x10100] =	vst v63  }
0x163: {  	_ = 	snop  }
0x164: {  	[tilespmem:s12], [sflag:$0x1] =	stream.indirect_vreg.gather [hbm4b:s5+s3], $0x80, v3, vm0, $0xb8;
	[tilespmem:$0x10100] =	vst v63  }
0x165: {  	_ = 	snop  }
0x166: {  	[tilespmem:s13], [sflag:$0x1] =	stream.indirect_vreg.gather [hbm4b:s6+s3], $0x80, v3, vm0, $0xb8;
	[tilespmem:$0x10100] =	vst v63  }
0x167: {  	_ =	swait.ge [sflag:s19], $0x8000  }
0x168: {  	[sflag:s19] =	ssyncset.done $0x0  }
0x169: {  	s1 =	rddreg [dreg:$0xa];
	[sflag:s19] =	ssyncadd.s32 $0xFFFF8000  }
0x16a: {  	[hbm4b:s1+s3] =	stream.linear.scatter [tilespmem:s25], [sflag:$0x4], $0x8000, $0x38;
	[tilespmem:$0x10100] =	vst v63  }
0x16b: {  	_ =	swait.ge [sflag:s20], $0x8000  }
0x16c: {  	[sflag:s20] =	ssyncset.done $0x0  }
0x16d: {  	[sflag:s20] =	ssyncadd.s32 $0xFFFF8000  }
0x16e: {  	v3 =	vld [tilespmem:$0xE0];
	_ =	sdelay $0x4  }
0x16f: {  	v62 =	vshll.u32 v3, $0x3  }
0x170: {  	v3 =	vand.u32 $0x7, v3;
	v4 =	vand.u32 $0xFFFFFFC0, v62  }
0x171: {  	v3 =	vor.u32 v3, v4  }
0x172: {  	v4 =	vperm.xlane v3, v0;
	_ =	sdelay $0x1  }
0x173: {  	v4 =	vadd.s32 v1, v4;
	_ =	sdelay $0x4  }
0x174: {  	[tilespmem:s25], [sflag:$0x2] =	stream.indirect_vreg.gather [hbm4b:s2+s3], $0x80, v4, vm0, $0xb8;
	[tilespmem:$0x10100] =	vst v63  }
0x175: {  	s21 =	simm.s32 $0x8900;
	v3 =	vperm.xlane v3, v2  }
0x176: {  	[tilespmem:s21], [sflag:$0x2] =	stream.indirect_vreg.gather [hbm4b:s4+s3], $0x80, v4, vm0, $0xb8;
	[tilespmem:$0x10100] =	vst v63  }
0x177: {  	s0 =	simm.s32 $0x9100;
	v3 =	vadd.s32 v1, v3  }
0x178: {  	[tilespmem:s0], [sflag:$0x2] =	stream.indirect_vreg.gather [hbm4b:s5+s3], $0x80, v4, vm0, $0xb8;
	[tilespmem:$0x10100] =	vst v63  }
0x179: {  	s1 =	simm.s32 $0x9900  }
0x17a: {  	[tilespmem:s1], [sflag:$0x2] =	stream.indirect_vreg.gather [hbm4b:s6+s3], $0x80, v4, vm0, $0xb8;
	[tilespmem:$0x10100] =	vst v63  }
0x17b: {  	s14 =	simm.s32 $0xA100  }
0x17c: {  	[tilespmem:s14], [sflag:$0x2] =	stream.indirect_vreg.gather [hbm4b:s2+s3], $0x80, v3, vm0, $0xb8;
	[tilespmem:$0x10100] =	vst v63  }
0x17d: {  	s16 =	simm.s32 $0xA900  }
0x17e: {  	[tilespmem:s16], [sflag:$0x2] =	stream.indirect_vreg.gather [hbm4b:s4+s3], $0x80, v3, vm0, $0xb8;
	[tilespmem:$0x10100] =	vst v63  }
0x17f: {  	s21 =	simm.s32 $0xB100  }
0x180: {  	[tilespmem:s21], [sflag:$0x2] =	stream.indirect_vreg.gather [hbm4b:s5+s3], $0x80, v3, vm0, $0xb8;
	[tilespmem:$0x10100] =	vst v63  }
0x181: {  	s1 =	simm.s32 $0xB900  }
0x182: {  	[tilespmem:s1], [sflag:$0x2] =	stream.indirect_vreg.gather [hbm4b:s6+s3], $0x80, v3, vm0, $0xb8;
	[tilespmem:$0x10100] =	vst v63  }
0x183: {  	v3 =	vld [tilespmem:$0xF0];
	_ =	sdelay $0x4  }
0x184: {  	v63 =	vshll.u32 v3, $0x3  }
0x185: {  	v3 =	vand.u32 $0x7, v3;
	v4 =	vand.u32 $0xFFFFFFC0, v63  }
0x186: {  	v3 =	vor.u32 v3, v4  }
0x187: {  	v4 =	vperm.xlane v3, v0;
	_ =	sdelay $0x1  }
0x188: {  	v4 =	vadd.s32 v1, v4;
	_ =	sdelay $0x3  }
0x189: {  	s14 =	simm.s32 $0xC100  }
0x18a: {  	[tilespmem:s14], [sflag:$0x2] =	stream.indirect_vreg.gather [hbm4b:s2+s3], $0x80, v4, vm0, $0xb8;
	[tilespmem:$0x10100] =	vst v63  }
0x18b: {  	s16 =	simm.s32 $0xC900;
	v3 =	vperm.xlane v3, v2  }
0x18c: {  	[tilespmem:s16], [sflag:$0x2] =	stream.indirect_vreg.gather [hbm4b:s4+s3], $0x80, v4, vm0, $0xb8;
	[tilespmem:$0x10100] =	vst v63  }
0x18d: {  	s21 =	simm.s32 $0xD100;
	v3 =	vadd.s32 v1, v3  }
0x18e: {  	[tilespmem:s21], [sflag:$0x2] =	stream.indirect_vreg.gather [hbm4b:s5+s3], $0x80, v4, vm0, $0xb8;
	[tilespmem:$0x10100] =	vst v63  }
0x18f: {  	s1 =	simm.s32 $0xD900  }
0x190: {  	[tilespmem:s1], [sflag:$0x2] =	stream.indirect_vreg.gather [hbm4b:s6+s3], $0x80, v4, vm0, $0xb8;
	[tilespmem:$0x10100] =	vst v63  }
0x191: {  	s14 =	simm.s32 $0xE100  }
0x192: {  	[tilespmem:s14], [sflag:$0x2] =	stream.indirect_vreg.gather [hbm4b:s2+s3], $0x80, v3, vm0, $0xb8;
	[tilespmem:$0x10100] =	vst v63  }
0x193: {  	s16 =	simm.s32 $0xE900  }
0x194: {  	[tilespmem:s16], [sflag:$0x2] =	stream.indirect_vreg.gather [hbm4b:s4+s3], $0x80, v3, vm0, $0xb8;
	[tilespmem:$0x10100] =	vst v63  }
0x195: {  	s21 =	simm.s32 $0xF100  }
0x196: {  	[tilespmem:s21], [sflag:$0x2] =	stream.indirect_vreg.gather [hbm4b:s5+s3], $0x80, v3, vm0, $0xb8;
	[tilespmem:$0x10100] =	vst v63  }
0x197: {  	s1 =	simm.s32 $0xF900  }
0x198: {  	[tilespmem:s1], [sflag:$0x2] =	stream.indirect_vreg.gather [hbm4b:s6+s3], $0x80, v3, vm0, $0xb8;
	[tilespmem:$0x10100] =	vst v63  }
0x199: {  	_ =	swait.ge [sflag:s17], $0x8000  }
0x19a: {  	[sflag:s17] =	ssyncset.done $0x0  }
0x19b: {  	s14 =	rddreg [dreg:$0xb];
	[sflag:s17] =	ssyncadd.s32 $0xFFFF8000  }
0x19c: {  	[hbm4b:s14+s3] =	stream.linear.scatter [tilespmem:s9], [sflag:$0x3], $0x8000, $0x38;
	[tilespmem:$0x10100] =	vst v63  }
0x19d: {  	_ =	swait.ge [sflag:s19], $0x8000  }
0x19e: {  	[sflag:s19] =	ssyncset.done $0x0  }
0x19f: {  	s16 =	rddreg [dreg:$0xc];
	[sflag:s19] =	ssyncadd.s32 $0xFFFF8000  }
0x1a0: {  	[hbm4b:s16+s3] =	stream.linear.scatter [tilespmem:s25], [sflag:$0x4], $0x8000, $0x38;
	[tilespmem:$0x10100] =	vst v63  }
0x1a1: {  	p0 =	sne.s32 s7, $0x1;
	_ =	swait.ge [sflag:s18], $0x8000  }
.Ltmp0:
0x1a2: {  	[sflag:s18] =	ssyncset.done $0x0;
	(pc) =	sbr.rel @p0 .LBB2_1-.Ltmp0, $4  }
0x1a3: {  	[sflag:s18] =	ssyncadd.s32 $0xFFFF8000  }
0x1a4: {  	_ =	swait.ge [sflag:s20], $0x8000  }
0x1a5: {  	[sflag:s20] =	ssyncset.done $0x0  }
0x1a6: {  	s7 =	sadd.s32 $0xFFFFFFFF, s7;
	[sflag:s20] =	ssyncadd.s32 $0xFFFF8000  }
0x1a7: {  	_ =	sfence.sel $0x180000  }
0x1a8: {  	[bflag:$0x0] =	sbarrier.arrive $0xFFFF  }
0x1a9: {  	_ =	strace $0x90000047  }
0x1aa: {  	s0 =	stileid.u32;
	[bflag:$0x2] =	sbarrier.arrive $0xFFFF  }
0x1ab: {  	p0 =	sne.s32 s0, $0x0;
	s0 =	rddreg [dreg:$0x3]  }
0x1ac: {  	s0 =	sadd.s32 @!p0 $0x100000, s0  }
0x1ad: {  	[sflag:s0] =	ssyncadd.tile.s32 @!p0 $0x1;
	_ =	shalt  }
.Lfunc_end2:
_tile_overlayer_lowered:
.L_overlay_start_2:
0x1ae: {  	(tag) =	ssettag $0x2  }
0x1af: {  	s0 =	rddreg [dreg:$0x0];
	s2 =	stileid.u32  }
0x1b0: {  	s1 =	rddreg [dreg:$0x1];
	p0 =	sne.s32 s2, $0x0  }
0x1b1: {  	s3 =	rddreg [dreg:$0x2];
	[bflag:$0x3] =	sbarrier.arrive $0xFFFF;
	s2 =	simm.s32 @!p0 $0x1C05  }
0x1b2: {  	[timem:s3], [sflag:s2] =	dma.local @!p0 [hbm:s0], s1  }
0x1b3: {  	s0 =	simm.s32 @!p0 $0x5  }
0x1b4: {  	_ =	swait.ge @!p0 [sflag:s0], s1  }
0x1b5: {  	s1 =	ssub.s32 @!p0 $0x0, s1;
	[sflag:s0] =	ssyncset.done @!p0 $0x0  }
0x1b6: {  	[sflag:s0] =	ssyncadd.s32 @!p0 s1  }
0x1b7: {  	[bflag:$0x3] =	sbarrier.arrive $0xFFFF  }
0x1b8: {  	_ =	shalt  }

</sc_bundles>
